<compile_context>
chip_gen: v7x
topology: tpu7x:2x2x1
jax: 0.10.2.dev20260603
libtpu: 0.0.44.dev20260713+nightly
codegen_flags: <defaults>
</compile_context>

<pallas_src>
import functools

import jax
import jax.numpy as jnp
from jax import lax
from jax.experimental import pallas as pl
from jax.experimental.pallas import tpu as pltpu
from jax.experimental.pallas import tpu_sc as plsc

B, N, M = 16, 1024, 1024
GAMMA = 0.5


def _prep_body(g1_ref, c_ref):
    g1 = g1_ref[0]
    riota = lax.broadcasted_iota(jnp.int32, (N + 1, M), 0)
    skip = (riota == g1).astype(jnp.int32)
    p = skip
    k = 1
    while k < M:
        p = p + jnp.concatenate(
            [jnp.zeros((N + 1, k), jnp.int32), p[:, : M - k]], axis=1)
        k *= 2
    excl = p - skip
    rowtot = p[:, M - 1: M].astype(jnp.float32)
    rio = lax.broadcasted_iota(jnp.int32, (N + 1, N + 1), 0)
    cio = lax.broadcasted_iota(jnp.int32, (N + 1, N + 1), 1)
    ltri = (rio > cio).astype(jnp.float32)
    rowbase = lax.dot_general(ltri, rowtot, (((1,), (0,)), ((), ())),
                              preferred_element_type=jnp.float32)
    c_ref[0] = rowbase.astype(jnp.int32) + excl


def _prep(g1_3d):
    return pl.pallas_call(
        _prep_body,
        grid=(B,),
        in_specs=[pl.BlockSpec((1, 1, M), lambda i: (i, 0, 0))],
        out_specs=pl.BlockSpec((1, N + 1, M), lambda i: (i, 0, 0)),
        out_shape=jax.ShapeDtypeStruct((B, N + 1, M), jnp.int32),
    )(g1_3d)


def _sc_cross_body(scores_hbm, g1_hbm, c_hbm, out_hbm,
                   sbuf, cbuf, g1buf, accbuf):
    cid = lax.axis_index("c")
    sid = lax.axis_index("s")
    wid = cid * 16 + sid
    bb = wid // 2
    half = wid % 2
    i0 = half * 512

    def zbody(k, _):
        accbuf[pl.ds(k * 16, 16)] = jnp.zeros((16,), jnp.float32)
        return 0
    lax.fori_loop(0, 128, zbody, 0)

    pltpu.sync_copy(g1_hbm.at[bb], g1buf)

    def do_slice(r, i, s):
        g1s = g1buf[0, pl.ds(s * 16, 16)]
        vals = sbuf[r, pl.ds(s * 16, 16)]
        cvec = cbuf[r, pl.ds(s * 16, 16)]
        mask = g1s == i
        idx = lax.iota(jnp.int32, 16) + (s * 16 + M) - cvec
        plsc.addupdate_scatter(accbuf, [idx], vals,
                               mask=jnp.logical_not(mask))

    def chunk_body(ch, _):
        rstart = i0 + ch * 8
        pltpu.sync_copy(scores_hbm.at[bb, pl.ds(rstart, 8), :], sbuf)
        pltpu.sync_copy(c_hbm.at[bb, pl.ds(rstart, 8), :], cbuf)

        def row_body(r, _):
            i = rstart + r

            def s_body(t, _):
                for su in range(4):
                    do_slice(r, i, t * 4 + su)
                return 0
            lax.fori_loop(0, 16, s_body, 0)
            return 0
        lax.fori_loop(0, 8, row_body, 0)
        return 0
    lax.fori_loop(0, 64, chunk_body, 0)

    @pl.when(half == 1)
    def _():
        pltpu.sync_copy(scores_hbm.at[bb, pl.ds(N, 1), :],
                        sbuf.at[pl.ds(0, 1)])
        pltpu.sync_copy(c_hbm.at[bb, pl.ds(N, 1), :], cbuf.at[pl.ds(0, 1)])

        def s_body(t, _):
            for su in range(4):
                do_slice(0, N, t * 4 + su)
            return 0
        lax.fori_loop(0, 16, s_body, 0)

    pltpu.sync_copy(accbuf, out_hbm.at[wid, 0])


@functools.cache
def _build_sc_cross():
    @functools.partial(
        pl.kernel,
        mesh=plsc.VectorSubcoreMesh(core_axis_name="c", subcore_axis_name="s"),
        compiler_params=pltpu.CompilerParams(needs_layout_passes=False),
        out_type=jax.ShapeDtypeStruct((32, 8, 2 * M), jnp.float32),
        scratch_types=[
            pltpu.VMEM((8, M + 1), jnp.float32),
            pltpu.VMEM((8, M), jnp.int32),
            pltpu.VMEM((1, M), jnp.int32),
            pltpu.VMEM((2 * M,), jnp.float32),
        ],
    )
    def sc_cross(scores_hbm, g1_hbm, c_hbm, out_hbm,
                 sbuf, cbuf, g1buf, accbuf):
        _sc_cross_body(scores_hbm, g1_hbm, c_hbm, out_hbm,
                       sbuf, cbuf, g1buf, accbuf)
    return sc_cross


def _sc_cross(scores, g1, cfull):
    return _build_sc_cross()(scores, g1.reshape(B, 1, M), cfull)[:, 0, :]


def _dense_body(s_ref, g0_ref, g1_ref, part_ref, pos2_ref):
    S = s_ref[0]
    g0 = g0_ref[0]
    g1 = g1_ref[0]
    Sm = S[: N, : M]
    lastcol = S[: N, M: M + 1]
    lastrow = S[N: N + 1, : M]

    colidx = lax.broadcasted_iota(jnp.int32, (N, M), 1)
    rowidx = lax.broadcasted_iota(jnp.int32, (N, M), 0)
    NEG = jnp.float32(-jnp.inf)
    BIGI = jnp.int32(1 << 30)

    ident = (colidx == rowidx).astype(jnp.float32)
    g0col = lax.dot_general(ident, g0.astype(jnp.float32),
                            (((1,), (1,)), ((), ())),
                            preferred_element_type=jnp.float32)
    g1col = lax.dot_general(ident, g1.astype(jnp.float32),
                            (((1,), (1,)), ((), ())),
                            preferred_element_type=jnp.float32)
    g0c = g0col.astype(jnp.int32)

    rowsum = jnp.sum(Sm, axis=1, keepdims=True) + lastcol
    rowsumsq = jnp.sum(Sm * Sm, axis=1, keepdims=True) + lastcol * lastcol
    rmax_m = jnp.max(Sm, axis=1, keepdims=True)
    idx_in_m = jnp.min(jnp.where(Sm == rmax_m, colidx, BIGI),
                       axis=1, keepdims=True)
    max1 = jnp.maximum(rmax_m, lastcol)
    idx1 = jnp.where(rmax_m >= lastcol, idx_in_m, M)
    m2m = jnp.max(jnp.where(colidx == idx_in_m, NEG, Sm),
                  axis=1, keepdims=True)
    t2 = jnp.where(idx1 == M, rmax_m, jnp.maximum(m2m, lastcol))
    pos1 = (jnp.sum(jnp.where(colidx == g0c, Sm, 0.0), axis=1, keepdims=True)
            + jnp.where(g0c == M, lastcol, 0.0))
    hn1 = jnp.where(idx1 == g0c, t2, max1)
    h1 = jnp.sum(jnp.maximum(pos1 - hn1 + GAMMA, 0.0))
    sumn = rowsum - pos1
    sum_m1 = jnp.sum(sumn - M * pos1)
    sumsq_m1 = jnp.sum((rowsumsq - pos1 * pos1)
                       - 2.0 * pos1 * sumn + M * pos1 * pos1)

    colsum = jnp.sum(Sm, axis=0, keepdims=True) + lastrow
    colsumsq = jnp.sum(Sm * Sm, axis=0, keepdims=True) + lastrow * lastrow
    sum_sb = jnp.sum(colsum)
    sumsq_sb = jnp.sum(colsumsq)
    cmax_m = jnp.max(Sm, axis=0, keepdims=True)
    cidx_in_m = jnp.min(jnp.where(Sm == cmax_m, rowidx, BIGI),
                        axis=0, keepdims=True)
    u1 = jnp.maximum(cmax_m, lastrow)
    cidx1 = jnp.where(cmax_m >= lastrow, cidx_in_m, N)
    c2m = jnp.max(jnp.where(rowidx == cidx_in_m, NEG, Sm),
                  axis=0, keepdims=True)
    u2 = jnp.where(cidx1 == N, cmax_m, jnp.maximum(c2m, lastrow))
    P = (jnp.sum(jnp.where(rowidx == g1, Sm, 0.0), axis=0, keepdims=True)
         + jnp.where(g1 == N, lastrow, 0.0))
    hn2 = jnp.where(cidx1 == g1, u2, u1)

    g1row_f = g1.astype(jnp.float32)
    lt = (g1row_f < g1col).astype(jnp.float32)
    eq = (g1row_f == g1col).astype(jnp.float32)
    jplt = (colidx < rowidx).astype(jnp.float32)
    rank = jnp.sum(lt + eq * jplt, axis=1, keepdims=True)
    oh = (rank == colidx.astype(jnp.float32)).astype(jnp.float32)
    pos2 = lax.dot_general(P, oh, (((1,), (0,)), ((), ())),
                           preferred_element_type=jnp.float32)
    h2 = jnp.sum(jnp.maximum(pos2 - hn2 + GAMMA, 0.0))
    sp = jnp.sum(P)
    sp2 = jnp.sum(P * P)
    sum_m2 = (sum_sb - sp) - N * sp
    sumsq_m2_wo = (sumsq_sb - sp2) + N * sp2

    lane = lax.broadcasted_iota(jnp.int32, (1, 128), 1)
    vals = (jnp.where(lane == 0, sum_m1, 0.0)
            + jnp.where(lane == 1, sumsq_m1, 0.0)
            + jnp.where(lane == 2, sum_m2, 0.0)
            + jnp.where(lane == 3, sumsq_m2_wo, 0.0)
            + jnp.where(lane == 4, h1, 0.0)
            + jnp.where(lane == 5, h2, 0.0))
    part_ref[0] = vals
    pos2_ref[0] = pos2


def _dense(scores, g0_3d, g1_3d):
    return pl.pallas_call(
        _dense_body,
        grid=(B,),
        in_specs=[
            pl.BlockSpec((1, N + 1, M + 1), lambda i: (i, 0, 0)),
            pl.BlockSpec((1, 1, N), lambda i: (i, 0, 0)),
            pl.BlockSpec((1, 1, M), lambda i: (i, 0, 0)),
        ],
        out_specs=[
            pl.BlockSpec((1, 1, 128), lambda i: (i, 0, 0)),
            pl.BlockSpec((1, 1, M), lambda i: (i, 0, 0)),
        ],
        out_shape=[
            jax.ShapeDtypeStruct((B, 1, 128), jnp.float32),
            jax.ShapeDtypeStruct((B, 1, M), jnp.float32),
        ],
    )(scores, g0_3d, g1_3d)


def _final_body(part_ref, pos2_ref, acc_ref, out_ref):
    acc = acc_ref[...]
    s = acc[:, 0, :] + acc[:, 1, :]
    fold = s[:, : M] + s[:, M:]
    pos2 = pos2_ref[:, 0, :]
    cross = jnp.sum(pos2 * fold)
    part = part_ref[:, 0, :]
    sum_m1 = jnp.sum(part[:, 0:1])
    sumsq_m1 = jnp.sum(part[:, 1:2])
    sum_m2 = jnp.sum(part[:, 2:3])
    sumsq_m2 = jnp.sum(part[:, 3:4]) - 2.0 * cross
    h = jnp.sum(part[:, 4:5]) + jnp.sum(part[:, 5:6])
    ntot = jnp.float32(2 * B * N * M)
    mu = (sum_m1 + sum_m2) / ntot
    var = (sumsq_m1 + sumsq_m2 - ntot * mu * mu) / (ntot - 1.0)
    hard = h / jnp.float32(2 * B * N)
    out_ref[...] = (hard + jnp.exp(mu) + jnp.log(var + 1.0)).reshape(1, 1)


def _final(partials, pos2_all, acc):
    return pl.pallas_call(
        _final_body,
        out_shape=jax.ShapeDtypeStruct((1, 1), jnp.float32),
    )(partials, pos2_all, acc.reshape(B, 2, 2 * M))


def kernel(gt_matches0, gt_matches1, scores):
    g0 = jnp.where(gt_matches0 == -1, M, gt_matches0).astype(jnp.int32)
    g1 = jnp.where(gt_matches1 == -1, N, gt_matches1).astype(jnp.int32)
    g0_3d = g0.reshape(B, 1, N)
    g1_3d = g1.reshape(B, 1, M)
    cfull = _prep(g1_3d)
    acc = _sc_cross(scores, g1, cfull)
    partials, pos2_all = _dense(scores, g0_3d, g1_3d)
    out = _final(partials, pos2_all, acc)
    return out[0, 0]

# --- scband reference (transcript-rebuilt; emitter-appended) ---
"""Pipeline reference for scband-distribution2-3393024163972 (READ-ONLY COPY).

The authoritative reference and input builder live on the scoring server;
editing this copy changes nothing except your own understanding.
"""

import jax, jax.numpy as jnp
import numpy as np


def _mask_select(x, mask, count):
    flat_mask = jnp.reshape(mask, (-1,))
    size = flat_mask.shape[0]
    pos = jnp.arange(size)
    keyed = jnp.where(flat_mask, pos, size)
    flat_idx = jnp.sort(keyed)[:count]
    return jnp.reshape(x, (-1,))[flat_idx]


def setup_inputs(seed: int = 0):
    key = jax.random.key(seed)
    k1, k2, k3 = jax.random.split(key, 3)
    b, n, m = 16, 1024, 1024
    gt_matches0 = jax.random.randint(k1, (b, n), 0, m + 1)
    gt_matches1 = jax.random.randint(k2, (b, m), 0, n + 1)
    scores = jax.random.normal(k3, (b, n + 1, m + 1), dtype=jnp.float32)
    return {"gt_matches0": gt_matches0, "gt_matches1": gt_matches1, "scores": scores}


def reference(gt_matches0, gt_matches1, scores):
    gamma = 0.5
    b, n = gt_matches0.shape
    _, m = gt_matches1.shape
    gt0 = jnp.where(gt_matches0 == -1, m, gt_matches0)
    gt1 = jnp.where(gt_matches1 == -1, n, gt_matches1)
    ind = jnp.broadcast_to(jnp.arange(n)[None, :], (b, n))
    idx = jnp.broadcast_to(jnp.arange(m + 1)[None, None, :], (b, n, m + 1))
    idx2 = jnp.broadcast_to(jnp.arange(n + 1)[None, :, None], (b, n + 1, m))
    batch_idx = jnp.broadcast_to(jnp.arange(b)[:, None], (b, n))
    scores_a = scores[:, :-1, :]
    scores_b = scores[:, :, :-1]
    _, max0 = jax.lax.top_k(scores_a, 2)
    _, max1t = jax.lax.top_k(jnp.swapaxes(scores_b, 1, 2), 2)
    max1 = jnp.swapaxes(max1t, 1, 2)
    hard_neg_indice = jnp.where(max0[:, :, 0] == gt0, 1, 0)
    hard_loss_anc_neg = scores[batch_idx, ind, max0[batch_idx, ind, hard_neg_indice]]
    pos_match = idx == gt0[:, :, None]
    neg_match = jnp.logical_not(pos_match)
    loss_anc_pos = _mask_select(scores_a, pos_match, b * n).reshape(b, n)
    loss_anc_neg = _mask_select(scores_a, neg_match, b * n * m).reshape(b, n, m)
    hard_margin1 = loss_anc_pos - hard_loss_anc_neg
    loss_anc_pos = jnp.repeat(loss_anc_pos[:, :, None], m, axis=2)
    loss_anc_neg = -jnp.log(jnp.exp(loss_anc_neg))
    loss_anc_pos = -jnp.log(jnp.exp(loss_anc_pos))
    margin1 = loss_anc_pos - loss_anc_neg
    hard_neg_indice2 = jnp.where(max1[:, 0, :] == gt1, 1, 0)
    hard_loss_anc_neg2 = scores[batch_idx, max1[batch_idx, hard_neg_indice2, ind], ind]
    pos_match2 = idx2 == gt1[:, None, :]
    neg_match2 = jnp.logical_not(pos_match2)
    loss_anc_pos2 = _mask_select(scores_b, pos_match2, b * m).reshape(b, m)
    loss_anc_neg2 = _mask_select(scores_b, neg_match2, b * n * m).reshape(b, n, m)
    hard_margin2 = loss_anc_pos2 - hard_loss_anc_neg2
    loss_anc_pos2 = jnp.repeat(loss_anc_pos2[:, None, :], n, axis=1)
    loss_anc_neg2 = -jnp.log(jnp.exp(loss_anc_neg2))
    loss_anc_pos2 = -jnp.log(jnp.exp(loss_anc_pos2))
    margin2 = loss_anc_pos2 - loss_anc_neg2
    margin = jnp.concatenate([margin1, margin2], 0)
    hard_margin = jnp.concatenate([hard_margin1, hard_margin2], 0)
    average_margin = jnp.mean(margin)
    var_loss = jnp.log(jnp.var(-margin, ddof=1) + 1.0)
    average_margin_loss = jnp.exp(average_margin)
    hard_margin_loss = jnp.mean(jnp.maximum(hard_margin + gamma, 0.0))
    return hard_margin_loss + average_margin_loss + var_loss

if __name__ == "__main__":
    import jax
    _d = setup_inputs()
    print(jax.jit(kernel)(*tuple(_d.values())))

</pallas_src>

<mosaic_0001>
#map = affine_map<(d0, d1) -> (0, 0, 0)>
module attributes {stable_mosaic.version = 14 : i64} {
  func.func @sc_cross(%arg0: i32, %arg1: i32, %arg2: memref<16x1025x1025xf32, #tpu.memory_space<hbm>>, %arg3: memref<16x1x1024xi32, #tpu.memory_space<hbm>>, %arg4: memref<16x1025x1024xi32, #tpu.memory_space<hbm>>, %arg5: memref<32x8x2048xf32, #tpu.memory_space<hbm>>, %arg6: memref<8x1025xf32, #tpu.memory_space<vmem>>, %arg7: memref<8x1024xi32, #tpu.memory_space<vmem>>, %arg8: memref<1x1024xi32, #tpu.memory_space<vmem>>, %arg9: memref<2048xf32, #tpu.memory_space<vmem>>) attributes {dimension_semantics = [#tpu.dimension_semantics<core_parallel>, #tpu.dimension_semantics<subcore_parallel>], iteration_bounds = array<i64: 2, 16>, scalar_prefetch = 0 : i64, scratch_operands = 4 : i64, tpu.core_type = #tpu.core_type<sc_vector_subcore>, window_params = [{transform_indices = #map}, {transform_indices = #map}, {transform_indices = #map}, {transform_indices = #map}]} {
    %mul3A = arith.constant 16 : i32
    %mul3A_0 = arith.muli %arg0, %mul3A : i32
    %add3A = arith.addi %mul3A_0, %arg1 : i32
    %jit3A = arith.constant 2 : i32
    %div3A = arith.divsi %add3A, %jit3A : i32
    %sign3A = arith.constant 0 : i32
    %sign3A_1 = arith.cmpi sgt, %add3A, %sign3A : i32
    %sign3A_2 = arith.extui %sign3A_1 : i1 to i32
    %sign3A_3 = arith.constant 0 : i32
    %sign3A_4 = arith.cmpi slt, %add3A, %sign3A_3 : i32
    %sign3A_5 = arith.extui %sign3A_4 : i1 to i32
    %sign3A_6 = arith.subi %sign3A_2, %sign3A_5 : i32
    %sign3A_7 = arith.constant 0 : i32
    %sign3A_8 = arith.cmpi sgt, %jit3A, %sign3A_7 : i32
    %sign3A_9 = arith.extui %sign3A_8 : i1 to i32
    %sign3A_10 = arith.constant 0 : i32
    %sign3A_11 = arith.cmpi slt, %jit3A, %sign3A_10 : i32
    %sign3A_12 = arith.extui %sign3A_11 : i1 to i32
    %sign3A_13 = arith.subi %sign3A_9, %sign3A_12 : i32
    %ne3A = arith.cmpi ne, %sign3A_6, %sign3A_13 : i32
    %rem3A = arith.remsi %add3A, %jit3A : i32
    %ne3A_14 = arith.constant 0 : i32
    %ne3A_15 = arith.cmpi ne, %rem3A, %ne3A_14 : i32
    %and3A = arith.andi %ne3A, %ne3A_15 : i1
    %sub3A = arith.constant 1 : i32
    %sub3A_16 = arith.subi %div3A, %sub3A : i32
    %select_n3A = arith.select %and3A, %sub3A_16, %div3A : i32
    %jit3A_17 = arith.constant 2 : i32
    %eq3A = arith.constant 0 : i32
    %eq3A_18 = arith.cmpi eq, %jit3A_17, %eq3A : i32
    %jit3A_19 = arith.constant 1 : i32
    %select_n3A_20 = arith.select %eq3A_18, %jit3A_19, %jit3A_17 : i32
    %rem3A_21 = arith.remsi %add3A, %select_n3A_20 : i32
    %ne3A_22 = arith.constant 0 : i32
    %ne3A_23 = arith.cmpi ne, %rem3A_21, %ne3A_22 : i32
    %lt3A = arith.constant 0 : i32
    %lt3A_24 = arith.cmpi slt, %rem3A_21, %lt3A : i32
    %lt3A_25 = arith.constant 0 : i32
    %lt3A_26 = arith.cmpi slt, %select_n3A_20, %lt3A_25 : i32
    %ne3A_27 = arith.xori %lt3A_24, %lt3A_26 : i1
    %and3A_28 = arith.andi %ne3A_27, %ne3A_23 : i1
    %add3A_29 = arith.addi %rem3A_21, %select_n3A_20 : i32
    %select_n3A_30 = arith.select %and3A_28, %add3A_29, %rem3A_21 : i32
    %mul3A_31 = arith.constant 512 : i32
    %mul3A_32 = arith.muli %select_n3A_30, %mul3A_31 : i32
    %scan3A = arith.constant 0 : i32
    %scan3A_33 = arith.constant 0 : i32
    %scan3A_34 = arith.constant 128 : i32
    %scan3A_35 = arith.addi %scan3A_33, %scan3A_34 : i32
    %scan3A_36 = arith.constant 1 : i32
    %scan3A_37 = scf.for %scan3A_49 = %scan3A_33 to %scan3A_35 step %scan3A_36 iter_args(%scan3A_50 = %scan3A) -> (i32)  : i32 {
      %broadcast_in_dim3A = arith.constant 0.000000e+00 : f32
      %broadcast_in_dim3A_51 = vector.broadcast %broadcast_in_dim3A : f32 to vector<16xf32>
      %mul3A_52 = arith.constant 16 : i32
      %mul3A_53 = arith.muli %scan3A_49, %mul3A_52 : i32
      %swap3A = arith.index_cast %mul3A_53 : i32 to index
      %swap3A_54 = tpu.vector_load %arg9[%swap3A] {strides = array<i32>} : memref<2048xf32, #tpu.memory_space<vmem>>, vector<16xf32>,
      tpu.vector_store %arg9[%swap3A], %broadcast_in_dim3A_51 {strides = array<i32>} : memref<2048xf32, #tpu.memory_space<vmem>>, vector<16xf32>,
      %scan3A_55 = arith.constant 0 : i32
      scf.yield %scan3A_55 : i32
    }
    %scan3A_38 = arith.constant 128 : i32
    "tpu.region"() ({
      %run_scoped3A_49 = tpu.sem_alloc : memref<!tpu.dma_semaphore, #tpu.memory_space<semaphore_mem>>
      %dma_start3A = arith.constant 0 : i32
      %dma_start3A_50 = arith.constant 0 : i32
      %dma_start3A_51 = tpu.memref_slice %arg3[%select_n3A, %dma_start3A, %dma_start3A_50] : memref<16x1x1024xi32, #tpu.memory_space<hbm>> -> memref<1x1x1024xi32, #tpu.memory_space<hbm>>
      %dma_start3A_52 = tpu.memref_squeeze %dma_start3A_51 : memref<1x1x1024xi32, #tpu.memory_space<hbm>> -> memref<1x1024xi32, #tpu.memory_space<hbm>>
      %dma_start3A_53 = arith.constant 0 : i32
      %dma_start3A_54 = arith.constant 0 : i32
      %dma_start3A_55 = tpu.memref_slice %arg3[%select_n3A, %dma_start3A_53, %dma_start3A_54] : memref<16x1x1024xi32, #tpu.memory_space<hbm>> -> memref<1x1x1024xi32, #tpu.memory_space<hbm>>
      %dma_start3A_56 = tpu.memref_squeeze %dma_start3A_55 : memref<1x1x1024xi32, #tpu.memory_space<hbm>> -> memref<1x1024xi32, #tpu.memory_space<hbm>>
      tpu.enqueue_dma source(%dma_start3A_56 : memref<1x1024xi32, #tpu.memory_space<hbm>>) target(%arg8 : memref<1x1024xi32, #tpu.memory_space<vmem>>) target_semaphore(%run_scoped3A_49 : memref<!tpu.dma_semaphore, #tpu.memory_space<semaphore_mem>>)
      %dma_wait3A = arith.constant 0 : i32
      %dma_wait3A_57 = arith.constant 0 : i32
      %dma_wait3A_58 = tpu.memref_slice %arg3[%select_n3A, %dma_wait3A, %dma_wait3A_57] : memref<16x1x1024xi32, #tpu.memory_space<hbm>> -> memref<1x1x1024xi32, #tpu.memory_space<hbm>>
      %dma_wait3A_59 = tpu.memref_squeeze %dma_wait3A_58 : memref<1x1x1024xi32, #tpu.memory_space<hbm>> -> memref<1x1024xi32, #tpu.memory_space<hbm>>
      %dma_wait3A_60 = arith.constant 0 : i32
      %dma_wait3A_61 = arith.constant 0 : i32
      %dma_wait3A_62 = tpu.memref_slice %arg3[%select_n3A, %dma_wait3A_60, %dma_wait3A_61] : memref<16x1x1024xi32, #tpu.memory_space<hbm>> -> memref<1x1x1024xi32, #tpu.memory_space<hbm>>
      %dma_wait3A_63 = tpu.memref_squeeze %dma_wait3A_62 : memref<1x1x1024xi32, #tpu.memory_space<hbm>> -> memref<1x1024xi32, #tpu.memory_space<hbm>>
      tpu.wait_dma2 semaphore(%run_scoped3A_49 : memref<!tpu.dma_semaphore, #tpu.memory_space<semaphore_mem>>) src(%dma_wait3A_63 : memref<1x1024xi32, #tpu.memory_space<hbm>>) dst(%arg8 : memref<1x1024xi32, #tpu.memory_space<vmem>>)
      tpu.yield
    }) : () -> ()
    %scan3A_39 = arith.constant 0 : i32
    %scan3A_40 = arith.constant 0 : i32
    %scan3A_41 = arith.constant 64 : i32
    %scan3A_42 = arith.addi %scan3A_40, %scan3A_41 : i32
    %scan3A_43 = arith.constant 1 : i32
    %scan3A_44 = scf.for %scan3A_49 = %scan3A_40 to %scan3A_42 step %scan3A_43 iter_args(%scan3A_50 = %scan3A_39) -> (i32)  : i32 {
      %mul3A_51 = arith.constant 8 : i32
      %mul3A_52 = arith.muli %scan3A_49, %mul3A_51 : i32
      %add3A_53 = arith.addi %mul3A_32, %mul3A_52 : i32
      "tpu.region"() ({
        %run_scoped3A_62 = tpu.sem_alloc : memref<!tpu.dma_semaphore, #tpu.memory_space<semaphore_mem>>
        %dma_start3A = arith.constant 0 : i32
        %dma_start3A_63 = tpu.memref_slice %arg2[%select_n3A, %add3A_53, %dma_start3A] : memref<16x1025x1025xf32, #tpu.memory_space<hbm>> -> memref<1x8x1025xf32, #tpu.memory_space<hbm>>
        %dma_start3A_64 = tpu.memref_squeeze %dma_start3A_63 : memref<1x8x1025xf32, #tpu.memory_space<hbm>> -> memref<8x1025xf32, #tpu.memory_space<hbm>>
        %dma_start3A_65 = arith.constant 0 : i32
        %dma_start3A_66 = tpu.memref_slice %arg2[%select_n3A, %add3A_53, %dma_start3A_65] : memref<16x1025x1025xf32, #tpu.memory_space<hbm>> -> memref<1x8x1025xf32, #tpu.memory_space<hbm>>
        %dma_start3A_67 = tpu.memref_squeeze %dma_start3A_66 : memref<1x8x1025xf32, #tpu.memory_space<hbm>> -> memref<8x1025xf32, #tpu.memory_space<hbm>>
        tpu.enqueue_dma source(%dma_start3A_67 : memref<8x1025xf32, #tpu.memory_space<hbm>>) target(%arg6 : memref<8x1025xf32, #tpu.memory_space<vmem>>) target_semaphore(%run_scoped3A_62 : memref<!tpu.dma_semaphore, #tpu.memory_space<semaphore_mem>>)
        %dma_wait3A = arith.constant 0 : i32
        %dma_wait3A_68 = tpu.memref_slice %arg2[%select_n3A, %add3A_53, %dma_wait3A] : memref<16x1025x1025xf32, #tpu.memory_space<hbm>> -> memref<1x8x1025xf32, #tpu.memory_space<hbm>>
        %dma_wait3A_69 = tpu.memref_squeeze %dma_wait3A_68 : memref<1x8x1025xf32, #tpu.memory_space<hbm>> -> memref<8x1025xf32, #tpu.memory_space<hbm>>
        %dma_wait3A_70 = arith.constant 0 : i32
        %dma_wait3A_71 = tpu.memref_slice %arg2[%select_n3A, %add3A_53, %dma_wait3A_70] : memref<16x1025x1025xf32, #tpu.memory_space<hbm>> -> memref<1x8x1025xf32, #tpu.memory_space<hbm>>
        %dma_wait3A_72 = tpu.memref_squeeze %dma_wait3A_71 : memref<1x8x1025xf32, #tpu.memory_space<hbm>> -> memref<8x1025xf32, #tpu.memory_space<hbm>>
        tpu.wait_dma2 semaphore(%run_scoped3A_62 : memref<!tpu.dma_semaphore, #tpu.memory_space<semaphore_mem>>) src(%dma_wait3A_72 : memref<8x1025xf32, #tpu.memory_space<hbm>>) dst(%arg6 : memref<8x1025xf32, #tpu.memory_space<vmem>>)
        tpu.yield
      }) : () -> ()
      "tpu.region"() ({
        %run_scoped3A_62 = tpu.sem_alloc : memref<!tpu.dma_semaphore, #tpu.memory_space<semaphore_mem>>
        %dma_start3A = arith.constant 0 : i32
        %dma_start3A_63 = tpu.memref_slice %arg4[%select_n3A, %add3A_53, %dma_start3A] : memref<16x1025x1024xi32, #tpu.memory_space<hbm>> -> memref<1x8x1024xi32, #tpu.memory_space<hbm>>
        %dma_start3A_64 = tpu.memref_squeeze %dma_start3A_63 : memref<1x8x1024xi32, #tpu.memory_space<hbm>> -> memref<8x1024xi32, #tpu.memory_space<hbm>>
        %dma_start3A_65 = arith.constant 0 : i32
        %dma_start3A_66 = tpu.memref_slice %arg4[%select_n3A, %add3A_53, %dma_start3A_65] : memref<16x1025x1024xi32, #tpu.memory_space<hbm>> -> memref<1x8x1024xi32, #tpu.memory_space<hbm>>
        %dma_start3A_67 = tpu.memref_squeeze %dma_start3A_66 : memref<1x8x1024xi32, #tpu.memory_space<hbm>> -> memref<8x1024xi32, #tpu.memory_space<hbm>>
        tpu.enqueue_dma source(%dma_start3A_67 : memref<8x1024xi32, #tpu.memory_space<hbm>>) target(%arg7 : memref<8x1024xi32, #tpu.memory_space<vmem>>) target_semaphore(%run_scoped3A_62 : memref<!tpu.dma_semaphore, #tpu.memory_space<semaphore_mem>>)
        %dma_wait3A = arith.constant 0 : i32
        %dma_wait3A_68 = tpu.memref_slice %arg4[%select_n3A, %add3A_53, %dma_wait3A] : memref<16x1025x1024xi32, #tpu.memory_space<hbm>> -> memref<1x8x1024xi32, #tpu.memory_space<hbm>>
        %dma_wait3A_69 = tpu.memref_squeeze %dma_wait3A_68 : memref<1x8x1024xi32, #tpu.memory_space<hbm>> -> memref<8x1024xi32, #tpu.memory_space<hbm>>
        %dma_wait3A_70 = arith.constant 0 : i32
        %dma_wait3A_71 = tpu.memref_slice %arg4[%select_n3A, %add3A_53, %dma_wait3A_70] : memref<16x1025x1024xi32, #tpu.memory_space<hbm>> -> memref<1x8x1024xi32, #tpu.memory_space<hbm>>
        %dma_wait3A_72 = tpu.memref_squeeze %dma_wait3A_71 : memref<1x8x1024xi32, #tpu.memory_space<hbm>> -> memref<8x1024xi32, #tpu.memory_space<hbm>>
        tpu.wait_dma2 semaphore(%run_scoped3A_62 : memref<!tpu.dma_semaphore, #tpu.memory_space<semaphore_mem>>) src(%dma_wait3A_72 : memref<8x1024xi32, #tpu.memory_space<hbm>>) dst(%arg7 : memref<8x1024xi32, #tpu.memory_space<vmem>>)
        tpu.yield
      }) : () -> ()
      %scan3A_54 = arith.constant 0 : i32
      %scan3A_55 = arith.constant 0 : i32
      %scan3A_56 = arith.constant 8 : i32
      %scan3A_57 = arith.addi %scan3A_55, %scan3A_56 : i32
      %scan3A_58 = arith.constant 1 : i32
      %scan3A_59 = scf.for %scan3A_62 = %scan3A_55 to %scan3A_57 step %scan3A_58 iter_args(%scan3A_63 = %scan3A_54) -> (i32)  : i32 {
        %add3A_64 = arith.addi %add3A_53, %scan3A_62 : i32
        %scan3A_65 = arith.constant 0 : i32
        %scan3A_66 = arith.constant 0 : i32
        %scan3A_67 = arith.constant 16 : i32
        %scan3A_68 = arith.addi %scan3A_66, %scan3A_67 : i32
        %scan3A_69 = arith.constant 1 : i32
        %scan3A_70 = scf.for %scan3A_73 = %scan3A_66 to %scan3A_68 step %scan3A_69 iter_args(%scan3A_74 = %scan3A_65) -> (i32)  : i32 {
          %mul3A_75 = arith.constant 4 : i32
          %mul3A_76 = arith.muli %scan3A_73, %mul3A_75 : i32
          %add3A_77 = arith.constant 0 : i32
          %add3A_78 = arith.addi %mul3A_76, %add3A_77 : i32
          %mul3A_79 = arith.constant 16 : i32
          %mul3A_80 = arith.muli %add3A_78, %mul3A_79 : i32
          %get3A = arith.constant 0 : i32
          %get3A_81 = arith.index_cast %get3A : i32 to index
          %get3A_82 = arith.index_cast %mul3A_80 : i32 to index
          %get3A_83 = tpu.vector_load %arg8[%get3A_81, %get3A_82] {strides = array<i32>} : memref<1x1024xi32, #tpu.memory_space<vmem>>, vector<16xi32>,
          %mul3A_84 = arith.constant 16 : i32
          %mul3A_85 = arith.muli %add3A_78, %mul3A_84 : i32
          %get3A_86 = arith.index_cast %scan3A_62 : i32 to index
          %get3A_87 = arith.index_cast %mul3A_85 : i32 to index
          %get3A_88 = tpu.vector_load %arg6[%get3A_86, %get3A_87] {strides = array<i32>} : memref<8x1025xf32, #tpu.memory_space<vmem>>, vector<16xf32>,
          %mul3A_89 = arith.constant 16 : i32
          %mul3A_90 = arith.muli %add3A_78, %mul3A_89 : i32
          %get3A_91 = arith.index_cast %scan3A_62 : i32 to index
          %get3A_92 = arith.index_cast %mul3A_90 : i32 to index
          %get3A_93 = tpu.vector_load %arg7[%get3A_91, %get3A_92] {strides = array<i32>} : memref<8x1024xi32, #tpu.memory_space<vmem>>, vector<16xi32>,
          %eq3A_94 = vector.broadcast %add3A_64 : i32 to vector<16xi32>
          %eq3A_95 = arith.cmpi eq, %get3A_83, %eq3A_94 : vector<16xi32>
          %iota3A = tpu.iota {dimensions = array<i32: 0>} : vector<16xi32>
          %mul3A_96 = arith.constant 16 : i32
          %mul3A_97 = arith.muli %add3A_78, %mul3A_96 : i32
          %add3A_98 = arith.constant 1024 : i32
          %add3A_99 = arith.addi %mul3A_97, %add3A_98 : i32
          %add3A_100 = vector.broadcast %add3A_99 : i32 to vector<16xi32>
          %add3A_101 = arith.addi %iota3A, %add3A_100 : vector<16xi32>
          %sub3A_102 = arith.subi %add3A_101, %get3A_93 : vector<16xi32>
          %not3A = arith.constant dense<true> : vector<16xi1>
          %not3A_103 = arith.xori %eq3A_95, %not3A : vector<16xi1>
          tpu.vector_store_idx %arg9[%sub3A_102], %get3A_88 masked %not3A_103 {add = true} : memref<2048xf32, #tpu.memory_space<vmem>>[vector<16xi32>], vector<16xf32>, vector<16xi1>
          %mul3A_104 = arith.constant 4 : i32
          %mul3A_105 = arith.muli %scan3A_73, %mul3A_104 : i32
          %add3A_106 = arith.constant 1 : i32
          %add3A_107 = arith.addi %mul3A_105, %add3A_106 : i32
          %mul3A_108 = arith.constant 16 : i32
          %mul3A_109 = arith.muli %add3A_107, %mul3A_108 : i32
          %get3A_110 = arith.constant 0 : i32
          %get3A_111 = arith.index_cast %get3A_110 : i32 to index
          %get3A_112 = arith.index_cast %mul3A_109 : i32 to index
          %get3A_113 = tpu.vector_load %arg8[%get3A_111, %get3A_112] {strides = array<i32>} : memref<1x1024xi32, #tpu.memory_space<vmem>>, vector<16xi32>,
          %mul3A_114 = arith.constant 16 : i32
          %mul3A_115 = arith.muli %add3A_107, %mul3A_114 : i32
          %get3A_116 = arith.index_cast %scan3A_62 : i32 to index
          %get3A_117 = arith.index_cast %mul3A_115 : i32 to index
          %get3A_118 = tpu.vector_load %arg6[%get3A_116, %get3A_117] {strides = array<i32>} : memref<8x1025xf32, #tpu.memory_space<vmem>>, vector<16xf32>,
          %mul3A_119 = arith.constant 16 : i32
          %mul3A_120 = arith.muli %add3A_107, %mul3A_119 : i32
          %get3A_121 = arith.index_cast %scan3A_62 : i32 to index
          %get3A_122 = arith.index_cast %mul3A_120 : i32 to index
          %get3A_123 = tpu.vector_load %arg7[%get3A_121, %get3A_122] {strides = array<i32>} : memref<8x1024xi32, #tpu.memory_space<vmem>>, vector<16xi32>,
          %eq3A_124 = vector.broadcast %add3A_64 : i32 to vector<16xi32>
          %eq3A_125 = arith.cmpi eq, %get3A_113, %eq3A_124 : vector<16xi32>
          %iota3A_126 = tpu.iota {dimensions = array<i32: 0>} : vector<16xi32>
          %mul3A_127 = arith.constant 16 : i32
          %mul3A_128 = arith.muli %add3A_107, %mul3A_127 : i32
          %add3A_129 = arith.constant 1024 : i32
          %add3A_130 = arith.addi %mul3A_128, %add3A_129 : i32
          %add3A_131 = vector.broadcast %add3A_130 : i32 to vector<16xi32>
          %add3A_132 = arith.addi %iota3A_126, %add3A_131 : vector<16xi32>
          %sub3A_133 = arith.subi %add3A_132, %get3A_123 : vector<16xi32>
          %not3A_134 = arith.constant dense<true> : vector<16xi1>
          %not3A_135 = arith.xori %eq3A_125, %not3A_134 : vector<16xi1>
          tpu.vector_store_idx %arg9[%sub3A_133], %get3A_118 masked %not3A_135 {add = true} : memref<2048xf32, #tpu.memory_space<vmem>>[vector<16xi32>], vector<16xf32>, vector<16xi1>
          %mul3A_136 = arith.constant 4 : i32
          %mul3A_137 = arith.muli %scan3A_73, %mul3A_136 : i32
          %add3A_138 = arith.constant 2 : i32
          %add3A_139 = arith.addi %mul3A_137, %add3A_138 : i32
          %mul3A_140 = arith.constant 16 : i32
          %mul3A_141 = arith.muli %add3A_139, %mul3A_140 : i32
          %get3A_142 = arith.constant 0 : i32
          %get3A_143 = arith.index_cast %get3A_142 : i32 to index
          %get3A_144 = arith.index_cast %mul3A_141 : i32 to index
          %get3A_145 = tpu.vector_load %arg8[%get3A_143, %get3A_144] {strides = array<i32>} : memref<1x1024xi32, #tpu.memory_space<vmem>>, vector<16xi32>,
          %mul3A_146 = arith.constant 16 : i32
          %mul3A_147 = arith.muli %add3A_139, %mul3A_146 : i32
          %get3A_148 = arith.index_cast %scan3A_62 : i32 to index
          %get3A_149 = arith.index_cast %mul3A_147 : i32 to index
          %get3A_150 = tpu.vector_load %arg6[%get3A_148, %get3A_149] {strides = array<i32>} : memref<8x1025xf32, #tpu.memory_space<vmem>>, vector<16xf32>,
          %mul3A_151 = arith.constant 16 : i32
          %mul3A_152 = arith.muli %add3A_139, %mul3A_151 : i32
          %get3A_153 = arith.index_cast %scan3A_62 : i32 to index
          %get3A_154 = arith.index_cast %mul3A_152 : i32 to index
          %get3A_155 = tpu.vector_load %arg7[%get3A_153, %get3A_154] {strides = array<i32>} : memref<8x1024xi32, #tpu.memory_space<vmem>>, vector<16xi32>,
          %eq3A_156 = vector.broadcast %add3A_64 : i32 to vector<16xi32>
          %eq3A_157 = arith.cmpi eq, %get3A_145, %eq3A_156 : vector<16xi32>
          %iota3A_158 = tpu.iota {dimensions = array<i32: 0>} : vector<16xi32>
          %mul3A_159 = arith.constant 16 : i32
          %mul3A_160 = arith.muli %add3A_139, %mul3A_159 : i32
          %add3A_161 = arith.constant 1024 : i32
          %add3A_162 = arith.addi %mul3A_160, %add3A_161 : i32
          %add3A_163 = vector.broadcast %add3A_162 : i32 to vector<16xi32>
          %add3A_164 = arith.addi %iota3A_158, %add3A_163 : vector<16xi32>
          %sub3A_165 = arith.subi %add3A_164, %get3A_155 : vector<16xi32>
          %not3A_166 = arith.constant dense<true> : vector<16xi1>
          %not3A_167 = arith.xori %eq3A_157, %not3A_166 : vector<16xi1>
          tpu.vector_store_idx %arg9[%sub3A_165], %get3A_150 masked %not3A_167 {add = true} : memref<2048xf32, #tpu.memory_space<vmem>>[vector<16xi32>], vector<16xf32>, vector<16xi1>
          %mul3A_168 = arith.constant 4 : i32
          %mul3A_169 = arith.muli %scan3A_73, %mul3A_168 : i32
          %add3A_170 = arith.constant 3 : i32
          %add3A_171 = arith.addi %mul3A_169, %add3A_170 : i32
          %mul3A_172 = arith.constant 16 : i32
          %mul3A_173 = arith.muli %add3A_171, %mul3A_172 : i32
          %get3A_174 = arith.constant 0 : i32
          %get3A_175 = arith.index_cast %get3A_174 : i32 to index
          %get3A_176 = arith.index_cast %mul3A_173 : i32 to index
          %get3A_177 = tpu.vector_load %arg8[%get3A_175, %get3A_176] {strides = array<i32>} : memref<1x1024xi32, #tpu.memory_space<vmem>>, vector<16xi32>,
          %mul3A_178 = arith.constant 16 : i32
          %mul3A_179 = arith.muli %add3A_171, %mul3A_178 : i32
          %get3A_180 = arith.index_cast %scan3A_62 : i32 to index
          %get3A_181 = arith.index_cast %mul3A_179 : i32 to index
          %get3A_182 = tpu.vector_load %arg6[%get3A_180, %get3A_181] {strides = array<i32>} : memref<8x1025xf32, #tpu.memory_space<vmem>>, vector<16xf32>,
          %mul3A_183 = arith.constant 16 : i32
          %mul3A_184 = arith.muli %add3A_171, %mul3A_183 : i32
          %get3A_185 = arith.index_cast %scan3A_62 : i32 to index
          %get3A_186 = arith.index_cast %mul3A_184 : i32 to index
          %get3A_187 = tpu.vector_load %arg7[%get3A_185, %get3A_186] {strides = array<i32>} : memref<8x1024xi32, #tpu.memory_space<vmem>>, vector<16xi32>,
          %eq3A_188 = vector.broadcast %add3A_64 : i32 to vector<16xi32>
          %eq3A_189 = arith.cmpi eq, %get3A_177, %eq3A_188 : vector<16xi32>
          %iota3A_190 = tpu.iota {dimensions = array<i32: 0>} : vector<16xi32>
          %mul3A_191 = arith.constant 16 : i32
          %mul3A_192 = arith.muli %add3A_171, %mul3A_191 : i32
          %add3A_193 = arith.constant 1024 : i32
          %add3A_194 = arith.addi %mul3A_192, %add3A_193 : i32
          %add3A_195 = vector.broadcast %add3A_194 : i32 to vector<16xi32>
          %add3A_196 = arith.addi %iota3A_190, %add3A_195 : vector<16xi32>
          %sub3A_197 = arith.subi %add3A_196, %get3A_187 : vector<16xi32>
          %not3A_198 = arith.constant dense<true> : vector<16xi1>
          %not3A_199 = arith.xori %eq3A_189, %not3A_198 : vector<16xi1>
          tpu.vector_store_idx %arg9[%sub3A_197], %get3A_182 masked %not3A_199 {add = true} : memref<2048xf32, #tpu.memory_space<vmem>>[vector<16xi32>], vector<16xf32>, vector<16xi1>
          %scan3A_200 = arith.constant 0 : i32
          scf.yield %scan3A_200 : i32
        }
        %scan3A_71 = arith.constant 16 : i32
        %scan3A_72 = arith.constant 0 : i32
        scf.yield %scan3A_72 : i32
      }
      %scan3A_60 = arith.constant 8 : i32
      %scan3A_61 = arith.constant 0 : i32
      scf.yield %scan3A_61 : i32
    }
    %scan3A_45 = arith.constant 64 : i32
    %eq3A_46 = arith.constant 1 : i32
    %eq3A_47 = arith.cmpi eq, %select_n3A_30, %eq3A_46 : i32
    %convert_element_type3A = arith.extui %eq3A_47 : i1 to i32
    %cond3A = arith.constant 0 : i32
    %cond3A_48 = arith.cmpi ne, %convert_element_type3A, %cond3A : i32
    scf.if %cond3A_48 {
      "tpu.region"() ({
        %run_scoped3A_56 = tpu.sem_alloc : memref<!tpu.dma_semaphore, #tpu.memory_space<semaphore_mem>>
        %dma_start3A = arith.constant 0 : i32
        %dma_start3A_57 = arith.constant 0 : i32
        %dma_start3A_58 = tpu.memref_slice %arg6[%dma_start3A, %dma_start3A_57] : memref<8x1025xf32, #tpu.memory_space<vmem>> -> memref<1x1025xf32, #tpu.memory_space<vmem>>
        %dma_start3A_59 = arith.constant 1024 : i32
        %dma_start3A_60 = arith.constant 0 : i32
        %dma_start3A_61 = tpu.memref_slice %arg2[%select_n3A, %dma_start3A_59, %dma_start3A_60] : memref<16x1025x1025xf32, #tpu.memory_space<hbm>> -> memref<1x1x1025xf32, #tpu.memory_space<hbm>>
        %dma_start3A_62 = tpu.memref_squeeze %dma_start3A_61 : memref<1x1x1025xf32, #tpu.memory_space<hbm>> -> memref<1x1025xf32, #tpu.memory_space<hbm>>
        %dma_start3A_63 = arith.constant 0 : i32
        %dma_start3A_64 = arith.constant 0 : i32
        %dma_start3A_65 = tpu.memref_slice %arg6[%dma_start3A_63, %dma_start3A_64] : memref<8x1025xf32, #tpu.memory_space<vmem>> -> memref<1x1025xf32, #tpu.memory_space<vmem>>
        %dma_start3A_66 = arith.constant 1024 : i32
        %dma_start3A_67 = arith.constant 0 : i32
        %dma_start3A_68 = tpu.memref_slice %arg2[%select_n3A, %dma_start3A_66, %dma_start3A_67] : memref<16x1025x1025xf32, #tpu.memory_space<hbm>> -> memref<1x1x1025xf32, #tpu.memory_space<hbm>>
        %dma_start3A_69 = tpu.memref_squeeze %dma_start3A_68 : memref<1x1x1025xf32, #tpu.memory_space<hbm>> -> memref<1x1025xf32, #tpu.memory_space<hbm>>
        tpu.enqueue_dma source(%dma_start3A_69 : memref<1x1025xf32, #tpu.memory_space<hbm>>) target(%dma_start3A_65 : memref<1x1025xf32, #tpu.memory_space<vmem>>) target_semaphore(%run_scoped3A_56 : memref<!tpu.dma_semaphore, #tpu.memory_space<semaphore_mem>>)
        %dma_wait3A = arith.constant 0 : i32
        %dma_wait3A_70 = arith.constant 0 : i32
        %dma_wait3A_71 = tpu.memref_slice %arg6[%dma_wait3A, %dma_wait3A_70] : memref<8x1025xf32, #tpu.memory_space<vmem>> -> memref<1x1025xf32, #tpu.memory_space<vmem>>
        %dma_wait3A_72 = arith.constant 1024 : i32
        %dma_wait3A_73 = arith.constant 0 : i32
        %dma_wait3A_74 = tpu.memref_slice %arg2[%select_n3A, %dma_wait3A_72, %dma_wait3A_73] : memref<16x1025x1025xf32, #tpu.memory_space<hbm>> -> memref<1x1x1025xf32, #tpu.memory_space<hbm>>
        %dma_wait3A_75 = tpu.memref_squeeze %dma_wait3A_74 : memref<1x1x1025xf32, #tpu.memory_space<hbm>> -> memref<1x1025xf32, #tpu.memory_space<hbm>>
        %dma_wait3A_76 = arith.constant 0 : i32
        %dma_wait3A_77 = arith.constant 0 : i32
        %dma_wait3A_78 = tpu.memref_slice %arg6[%dma_wait3A_76, %dma_wait3A_77] : memref<8x1025xf32, #tpu.memory_space<vmem>> -> memref<1x1025xf32, #tpu.memory_space<vmem>>
        %dma_wait3A_79 = arith.constant 1024 : i32
        %dma_wait3A_80 = arith.constant 0 : i32
        %dma_wait3A_81 = tpu.memref_slice %arg2[%select_n3A, %dma_wait3A_79, %dma_wait3A_80] : memref<16x1025x1025xf32, #tpu.memory_space<hbm>> -> memref<1x1x1025xf32, #tpu.memory_space<hbm>>
        %dma_wait3A_82 = tpu.memref_squeeze %dma_wait3A_81 : memref<1x1x1025xf32, #tpu.memory_space<hbm>> -> memref<1x1025xf32, #tpu.memory_space<hbm>>
        tpu.wait_dma2 semaphore(%run_scoped3A_56 : memref<!tpu.dma_semaphore, #tpu.memory_space<semaphore_mem>>) src(%dma_wait3A_82 : memref<1x1025xf32, #tpu.memory_space<hbm>>) dst(%dma_wait3A_78 : memref<1x1025xf32, #tpu.memory_space<vmem>>)
        tpu.yield
      }) : () -> ()
      "tpu.region"() ({
        %run_scoped3A_56 = tpu.sem_alloc : memref<!tpu.dma_semaphore, #tpu.memory_space<semaphore_mem>>
        %dma_start3A = arith.constant 0 : i32
        %dma_start3A_57 = arith.constant 0 : i32
        %dma_start3A_58 = tpu.memref_slice %arg7[%dma_start3A, %dma_start3A_57] : memref<8x1024xi32, #tpu.memory_space<vmem>> -> memref<1x1024xi32, #tpu.memory_space<vmem>>
        %dma_start3A_59 = arith.constant 1024 : i32
        %dma_start3A_60 = arith.constant 0 : i32
        %dma_start3A_61 = tpu.memref_slice %arg4[%select_n3A, %dma_start3A_59, %dma_start3A_60] : memref<16x1025x1024xi32, #tpu.memory_space<hbm>> -> memref<1x1x1024xi32, #tpu.memory_space<hbm>>
        %dma_start3A_62 = tpu.memref_squeeze %dma_start3A_61 : memref<1x1x1024xi32, #tpu.memory_space<hbm>> -> memref<1x1024xi32, #tpu.memory_space<hbm>>
        %dma_start3A_63 = arith.constant 0 : i32
        %dma_start3A_64 = arith.constant 0 : i32
        %dma_start3A_65 = tpu.memref_slice %arg7[%dma_start3A_63, %dma_start3A_64] : memref<8x1024xi32, #tpu.memory_space<vmem>> -> memref<1x1024xi32, #tpu.memory_space<vmem>>
        %dma_start3A_66 = arith.constant 1024 : i32
        %dma_start3A_67 = arith.constant 0 : i32
        %dma_start3A_68 = tpu.memref_slice %arg4[%select_n3A, %dma_start3A_66, %dma_start3A_67] : memref<16x1025x1024xi32, #tpu.memory_space<hbm>> -> memref<1x1x1024xi32, #tpu.memory_space<hbm>>
        %dma_start3A_69 = tpu.memref_squeeze %dma_start3A_68 : memref<1x1x1024xi32, #tpu.memory_space<hbm>> -> memref<1x1024xi32, #tpu.memory_space<hbm>>
        tpu.enqueue_dma source(%dma_start3A_69 : memref<1x1024xi32, #tpu.memory_space<hbm>>) target(%dma_start3A_65 : memref<1x1024xi32, #tpu.memory_space<vmem>>) target_semaphore(%run_scoped3A_56 : memref<!tpu.dma_semaphore, #tpu.memory_space<semaphore_mem>>)
        %dma_wait3A = arith.constant 0 : i32
        %dma_wait3A_70 = arith.constant 0 : i32
        %dma_wait3A_71 = tpu.memref_slice %arg7[%dma_wait3A, %dma_wait3A_70] : memref<8x1024xi32, #tpu.memory_space<vmem>> -> memref<1x1024xi32, #tpu.memory_space<vmem>>
        %dma_wait3A_72 = arith.constant 1024 : i32
        %dma_wait3A_73 = arith.constant 0 : i32
        %dma_wait3A_74 = tpu.memref_slice %arg4[%select_n3A, %dma_wait3A_72, %dma_wait3A_73] : memref<16x1025x1024xi32, #tpu.memory_space<hbm>> -> memref<1x1x1024xi32, #tpu.memory_space<hbm>>
        %dma_wait3A_75 = tpu.memref_squeeze %dma_wait3A_74 : memref<1x1x1024xi32, #tpu.memory_space<hbm>> -> memref<1x1024xi32, #tpu.memory_space<hbm>>
        %dma_wait3A_76 = arith.constant 0 : i32
        %dma_wait3A_77 = arith.constant 0 : i32
        %dma_wait3A_78 = tpu.memref_slice %arg7[%dma_wait3A_76, %dma_wait3A_77] : memref<8x1024xi32, #tpu.memory_space<vmem>> -> memref<1x1024xi32, #tpu.memory_space<vmem>>
        %dma_wait3A_79 = arith.constant 1024 : i32
        %dma_wait3A_80 = arith.constant 0 : i32
        %dma_wait3A_81 = tpu.memref_slice %arg4[%select_n3A, %dma_wait3A_79, %dma_wait3A_80] : memref<16x1025x1024xi32, #tpu.memory_space<hbm>> -> memref<1x1x1024xi32, #tpu.memory_space<hbm>>
        %dma_wait3A_82 = tpu.memref_squeeze %dma_wait3A_81 : memref<1x1x1024xi32, #tpu.memory_space<hbm>> -> memref<1x1024xi32, #tpu.memory_space<hbm>>
        tpu.wait_dma2 semaphore(%run_scoped3A_56 : memref<!tpu.dma_semaphore, #tpu.memory_space<semaphore_mem>>) src(%dma_wait3A_82 : memref<1x1024xi32, #tpu.memory_space<hbm>>) dst(%dma_wait3A_78 : memref<1x1024xi32, #tpu.memory_space<vmem>>)
        tpu.yield
      }) : () -> ()
      %scan3A_49 = arith.constant 0 : i32
      %scan3A_50 = arith.constant 0 : i32
      %scan3A_51 = arith.constant 16 : i32
      %scan3A_52 = arith.addi %scan3A_50, %scan3A_51 : i32
      %scan3A_53 = arith.constant 1 : i32
      %scan3A_54 = scf.for %scan3A_56 = %scan3A_50 to %scan3A_52 step %scan3A_53 iter_args(%scan3A_57 = %scan3A_49) -> (i32)  : i32 {
        %mul3A_58 = arith.constant 4 : i32
        %mul3A_59 = arith.muli %scan3A_56, %mul3A_58 : i32
        %add3A_60 = arith.constant 0 : i32
        %add3A_61 = arith.addi %mul3A_59, %add3A_60 : i32
        %mul3A_62 = arith.constant 16 : i32
        %mul3A_63 = arith.muli %add3A_61, %mul3A_62 : i32
        %get3A = arith.constant 0 : i32
        %get3A_64 = arith.index_cast %get3A : i32 to index
        %get3A_65 = arith.index_cast %mul3A_63 : i32 to index
        %get3A_66 = tpu.vector_load %arg8[%get3A_64, %get3A_65] {strides = array<i32>} : memref<1x1024xi32, #tpu.memory_space<vmem>>, vector<16xi32>,
        %mul3A_67 = arith.constant 16 : i32
        %mul3A_68 = arith.muli %add3A_61, %mul3A_67 : i32
        %get3A_69 = arith.constant 0 : i32
        %get3A_70 = arith.index_cast %get3A_69 : i32 to index
        %get3A_71 = arith.index_cast %mul3A_68 : i32 to index
        %get3A_72 = tpu.vector_load %arg6[%get3A_70, %get3A_71] {strides = array<i32>} : memref<8x1025xf32, #tpu.memory_space<vmem>>, vector<16xf32>,
        %mul3A_73 = arith.constant 16 : i32
        %mul3A_74 = arith.muli %add3A_61, %mul3A_73 : i32
        %get3A_75 = arith.constant 0 : i32
        %get3A_76 = arith.index_cast %get3A_75 : i32 to index
        %get3A_77 = arith.index_cast %mul3A_74 : i32 to index
        %get3A_78 = tpu.vector_load %arg7[%get3A_76, %get3A_77] {strides = array<i32>} : memref<8x1024xi32, #tpu.memory_space<vmem>>, vector<16xi32>,
        %eq3A_79 = arith.constant 1024 : i32
        %eq3A_80 = vector.broadcast %eq3A_79 : i32 to vector<16xi32>
        %eq3A_81 = arith.cmpi eq, %get3A_66, %eq3A_80 : vector<16xi32>
        %iota3A = tpu.iota {dimensions = array<i32: 0>} : vector<16xi32>
        %mul3A_82 = arith.constant 16 : i32
        %mul3A_83 = arith.muli %add3A_61, %mul3A_82 : i32
        %add3A_84 = arith.constant 1024 : i32
        %add3A_85 = arith.addi %mul3A_83, %add3A_84 : i32
        %add3A_86 = vector.broadcast %add3A_85 : i32 to vector<16xi32>
        %add3A_87 = arith.addi %iota3A, %add3A_86 : vector<16xi32>
        %sub3A_88 = arith.subi %add3A_87, %get3A_78 : vector<16xi32>
        %not3A = arith.constant dense<true> : vector<16xi1>
        %not3A_89 = arith.xori %eq3A_81, %not3A : vector<16xi1>
        tpu.vector_store_idx %arg9[%sub3A_88], %get3A_72 masked %not3A_89 {add = true} : memref<2048xf32, #tpu.memory_space<vmem>>[vector<16xi32>], vector<16xf32>, vector<16xi1>
        %mul3A_90 = arith.constant 4 : i32
        %mul3A_91 = arith.muli %scan3A_56, %mul3A_90 : i32
        %add3A_92 = arith.constant 1 : i32
        %add3A_93 = arith.addi %mul3A_91, %add3A_92 : i32
        %mul3A_94 = arith.constant 16 : i32
        %mul3A_95 = arith.muli %add3A_93, %mul3A_94 : i32
        %get3A_96 = arith.constant 0 : i32
        %get3A_97 = arith.index_cast %get3A_96 : i32 to index
        %get3A_98 = arith.index_cast %mul3A_95 : i32 to index
        %get3A_99 = tpu.vector_load %arg8[%get3A_97, %get3A_98] {strides = array<i32>} : memref<1x1024xi32, #tpu.memory_space<vmem>>, vector<16xi32>,
        %mul3A_100 = arith.constant 16 : i32
        %mul3A_101 = arith.muli %add3A_93, %mul3A_100 : i32
        %get3A_102 = arith.constant 0 : i32
        %get3A_103 = arith.index_cast %get3A_102 : i32 to index
        %get3A_104 = arith.index_cast %mul3A_101 : i32 to index
        %get3A_105 = tpu.vector_load %arg6[%get3A_103, %get3A_104] {strides = array<i32>} : memref<8x1025xf32, #tpu.memory_space<vmem>>, vector<16xf32>,
        %mul3A_106 = arith.constant 16 : i32
        %mul3A_107 = arith.muli %add3A_93, %mul3A_106 : i32
        %get3A_108 = arith.constant 0 : i32
        %get3A_109 = arith.index_cast %get3A_108 : i32 to index
        %get3A_110 = arith.index_cast %mul3A_107 : i32 to index
        %get3A_111 = tpu.vector_load %arg7[%get3A_109, %get3A_110] {strides = array<i32>} : memref<8x1024xi32, #tpu.memory_space<vmem>>, vector<16xi32>,
        %eq3A_112 = arith.constant 1024 : i32
        %eq3A_113 = vector.broadcast %eq3A_112 : i32 to vector<16xi32>
        %eq3A_114 = arith.cmpi eq, %get3A_99, %eq3A_113 : vector<16xi32>
        %iota3A_115 = tpu.iota {dimensions = array<i32: 0>} : vector<16xi32>
        %mul3A_116 = arith.constant 16 : i32
        %mul3A_117 = arith.muli %add3A_93, %mul3A_116 : i32
        %add3A_118 = arith.constant 1024 : i32
        %add3A_119 = arith.addi %mul3A_117, %add3A_118 : i32
        %add3A_120 = vector.broadcast %add3A_119 : i32 to vector<16xi32>
        %add3A_121 = arith.addi %iota3A_115, %add3A_120 : vector<16xi32>
        %sub3A_122 = arith.subi %add3A_121, %get3A_111 : vector<16xi32>
        %not3A_123 = arith.constant dense<true> : vector<16xi1>
        %not3A_124 = arith.xori %eq3A_114, %not3A_123 : vector<16xi1>
        tpu.vector_store_idx %arg9[%sub3A_122], %get3A_105 masked %not3A_124 {add = true} : memref<2048xf32, #tpu.memory_space<vmem>>[vector<16xi32>], vector<16xf32>, vector<16xi1>
        %mul3A_125 = arith.constant 4 : i32
        %mul3A_126 = arith.muli %scan3A_56, %mul3A_125 : i32
        %add3A_127 = arith.constant 2 : i32
        %add3A_128 = arith.addi %mul3A_126, %add3A_127 : i32
        %mul3A_129 = arith.constant 16 : i32
        %mul3A_130 = arith.muli %add3A_128, %mul3A_129 : i32
        %get3A_131 = arith.constant 0 : i32
        %get3A_132 = arith.index_cast %get3A_131 : i32 to index
        %get3A_133 = arith.index_cast %mul3A_130 : i32 to index
        %get3A_134 = tpu.vector_load %arg8[%get3A_132, %get3A_133] {strides = array<i32>} : memref<1x1024xi32, #tpu.memory_space<vmem>>, vector<16xi32>,
        %mul3A_135 = arith.constant 16 : i32
        %mul3A_136 = arith.muli %add3A_128, %mul3A_135 : i32
        %get3A_137 = arith.constant 0 : i32
        %get3A_138 = arith.index_cast %get3A_137 : i32 to index
        %get3A_139 = arith.index_cast %mul3A_136 : i32 to index
        %get3A_140 = tpu.vector_load %arg6[%get3A_138, %get3A_139] {strides = array<i32>} : memref<8x1025xf32, #tpu.memory_space<vmem>>, vector<16xf32>,
        %mul3A_141 = arith.constant 16 : i32
        %mul3A_142 = arith.muli %add3A_128, %mul3A_141 : i32
        %get3A_143 = arith.constant 0 : i32
        %get3A_144 = arith.index_cast %get3A_143 : i32 to index
        %get3A_145 = arith.index_cast %mul3A_142 : i32 to index
        %get3A_146 = tpu.vector_load %arg7[%get3A_144, %get3A_145] {strides = array<i32>} : memref<8x1024xi32, #tpu.memory_space<vmem>>, vector<16xi32>,
        %eq3A_147 = arith.constant 1024 : i32
        %eq3A_148 = vector.broadcast %eq3A_147 : i32 to vector<16xi32>
        %eq3A_149 = arith.cmpi eq, %get3A_134, %eq3A_148 : vector<16xi32>
        %iota3A_150 = tpu.iota {dimensions = array<i32: 0>} : vector<16xi32>
        %mul3A_151 = arith.constant 16 : i32
        %mul3A_152 = arith.muli %add3A_128, %mul3A_151 : i32
        %add3A_153 = arith.constant 1024 : i32
        %add3A_154 = arith.addi %mul3A_152, %add3A_153 : i32
        %add3A_155 = vector.broadcast %add3A_154 : i32 to vector<16xi32>
        %add3A_156 = arith.addi %iota3A_150, %add3A_155 : vector<16xi32>
        %sub3A_157 = arith.subi %add3A_156, %get3A_146 : vector<16xi32>
        %not3A_158 = arith.constant dense<true> : vector<16xi1>
        %not3A_159 = arith.xori %eq3A_149, %not3A_158 : vector<16xi1>
        tpu.vector_store_idx %arg9[%sub3A_157], %get3A_140 masked %not3A_159 {add = true} : memref<2048xf32, #tpu.memory_space<vmem>>[vector<16xi32>], vector<16xf32>, vector<16xi1>
        %mul3A_160 = arith.constant 4 : i32
        %mul3A_161 = arith.muli %scan3A_56, %mul3A_160 : i32
        %add3A_162 = arith.constant 3 : i32
        %add3A_163 = arith.addi %mul3A_161, %add3A_162 : i32
        %mul3A_164 = arith.constant 16 : i32
        %mul3A_165 = arith.muli %add3A_163, %mul3A_164 : i32
        %get3A_166 = arith.constant 0 : i32
        %get3A_167 = arith.index_cast %get3A_166 : i32 to index
        %get3A_168 = arith.index_cast %mul3A_165 : i32 to index
        %get3A_169 = tpu.vector_load %arg8[%get3A_167, %get3A_168] {strides = array<i32>} : memref<1x1024xi32, #tpu.memory_space<vmem>>, vector<16xi32>,
        %mul3A_170 = arith.constant 16 : i32
        %mul3A_171 = arith.muli %add3A_163, %mul3A_170 : i32
        %get3A_172 = arith.constant 0 : i32
        %get3A_173 = arith.index_cast %get3A_172 : i32 to index
        %get3A_174 = arith.index_cast %mul3A_171 : i32 to index
        %get3A_175 = tpu.vector_load %arg6[%get3A_173, %get3A_174] {strides = array<i32>} : memref<8x1025xf32, #tpu.memory_space<vmem>>, vector<16xf32>,
        %mul3A_176 = arith.constant 16 : i32
        %mul3A_177 = arith.muli %add3A_163, %mul3A_176 : i32
        %get3A_178 = arith.constant 0 : i32
        %get3A_179 = arith.index_cast %get3A_178 : i32 to index
        %get3A_180 = arith.index_cast %mul3A_177 : i32 to index
        %get3A_181 = tpu.vector_load %arg7[%get3A_179, %get3A_180] {strides = array<i32>} : memref<8x1024xi32, #tpu.memory_space<vmem>>, vector<16xi32>,
        %eq3A_182 = arith.constant 1024 : i32
        %eq3A_183 = vector.broadcast %eq3A_182 : i32 to vector<16xi32>
        %eq3A_184 = arith.cmpi eq, %get3A_169, %eq3A_183 : vector<16xi32>
        %iota3A_185 = tpu.iota {dimensions = array<i32: 0>} : vector<16xi32>
        %mul3A_186 = arith.constant 16 : i32
        %mul3A_187 = arith.muli %add3A_163, %mul3A_186 : i32
        %add3A_188 = arith.constant 1024 : i32
        %add3A_189 = arith.addi %mul3A_187, %add3A_188 : i32
        %add3A_190 = vector.broadcast %add3A_189 : i32 to vector<16xi32>
        %add3A_191 = arith.addi %iota3A_185, %add3A_190 : vector<16xi32>
        %sub3A_192 = arith.subi %add3A_191, %get3A_181 : vector<16xi32>
        %not3A_193 = arith.constant dense<true> : vector<16xi1>
        %not3A_194 = arith.xori %eq3A_184, %not3A_193 : vector<16xi1>
        tpu.vector_store_idx %arg9[%sub3A_192], %get3A_175 masked %not3A_194 {add = true} : memref<2048xf32, #tpu.memory_space<vmem>>[vector<16xi32>], vector<16xf32>, vector<16xi1>
        %scan3A_195 = arith.constant 0 : i32
        scf.yield %scan3A_195 : i32
      }
      %scan3A_55 = arith.constant 16 : i32
    } else {
    }
    %run_scoped3A = arith.constant 0 : i32
    "tpu.region"() ({
      %run_scoped3A_49 = tpu.sem_alloc : memref<!tpu.dma_semaphore, #tpu.memory_space<semaphore_mem>>
      %dma_start3A = arith.constant 0 : i32
      %dma_start3A_50 = tpu.memref_slice %arg5[%add3A, %run_scoped3A, %dma_start3A] : memref<32x8x2048xf32, #tpu.memory_space<hbm>> -> memref<1x1x2048xf32, #tpu.memory_space<hbm>>
      %dma_start3A_51 = tpu.memref_squeeze %dma_start3A_50 : memref<1x1x2048xf32, #tpu.memory_space<hbm>> -> memref<2048xf32, #tpu.memory_space<hbm>>
      %dma_start3A_52 = arith.constant 0 : i32
      %dma_start3A_53 = tpu.memref_slice %arg5[%add3A, %run_scoped3A, %dma_start3A_52] : memref<32x8x2048xf32, #tpu.memory_space<hbm>> -> memref<1x1x2048xf32, #tpu.memory_space<hbm>>
      %dma_start3A_54 = tpu.memref_squeeze %dma_start3A_53 : memref<1x1x2048xf32, #tpu.memory_space<hbm>> -> memref<2048xf32, #tpu.memory_space<hbm>>
      tpu.enqueue_dma source(%arg9 : memref<2048xf32, #tpu.memory_space<vmem>>) target(%dma_start3A_54 : memref<2048xf32, #tpu.memory_space<hbm>>) target_semaphore(%run_scoped3A_49 : memref<!tpu.dma_semaphore, #tpu.memory_space<semaphore_mem>>)
      %dma_wait3A = arith.constant 0 : i32
      %dma_wait3A_55 = tpu.memref_slice %arg5[%add3A, %run_scoped3A, %dma_wait3A] : memref<32x8x2048xf32, #tpu.memory_space<hbm>> -> memref<1x1x2048xf32, #tpu.memory_space<hbm>>
      %dma_wait3A_56 = tpu.memref_squeeze %dma_wait3A_55 : memref<1x1x2048xf32, #tpu.memory_space<hbm>> -> memref<2048xf32, #tpu.memory_space<hbm>>
      %dma_wait3A_57 = arith.constant 0 : i32
      %dma_wait3A_58 = tpu.memref_slice %arg5[%add3A, %run_scoped3A, %dma_wait3A_57] : memref<32x8x2048xf32, #tpu.memory_space<hbm>> -> memref<1x1x2048xf32, #tpu.memory_space<hbm>>
      %dma_wait3A_59 = tpu.memref_squeeze %dma_wait3A_58 : memref<1x1x2048xf32, #tpu.memory_space<hbm>> -> memref<2048xf32, #tpu.memory_space<hbm>>
      tpu.wait_dma2 semaphore(%run_scoped3A_49 : memref<!tpu.dma_semaphore, #tpu.memory_space<semaphore_mem>>) src(%arg9 : memref<2048xf32, #tpu.memory_space<vmem>>) dst(%dma_wait3A_59 : memref<2048xf32, #tpu.memory_space<hbm>>)
      tpu.yield
    }) : () -> ()
    return
  }
}

module attributes {stable_mosaic.version = 14 : i64} {
  func.func @_prep_body(%arg0: i32, %arg1: memref<1x1x1024xi32, #tpu.memory_space<vmem>>, %arg2: memref<1x1025x1024xi32, #tpu.memory_space<vmem>>) attributes {dimension_semantics = [#tpu.dimension_semantics<arbitrary>], iteration_bounds = array<i64: 16>, scalar_prefetch = 0 : i64, scratch_operands = 0 : i64, tpu.core_type = #tpu.core_type<tc>, window_params = [{transform_indices = @transform_0, window_bounds = array<i64: 1, 1, 1024>}, {transform_indices = @transform_1, window_bounds = array<i64: 1, 1025, 1024>}]} {
    %get3A = arith.constant 0 : index
    %get3A_0 = arith.constant 0 : index
    %get3A_1 = arith.constant 0 : index
    %get3A_2 = vector.load %arg1[%get3A, %get3A_0, %get3A_1] : memref<1x1x1024xi32, #tpu.memory_space<vmem>>, vector<1x1x1024xi32>
    %get3A_3 = vector.shape_cast %get3A_2 : vector<1x1x1024xi32> to vector<1x1024xi32>
    %iota3A = tpu.iota {dimensions = array<i32: 0>} : vector<1025x1024xi32>
    %eq3A = vector.broadcast %get3A_3 : vector<1x1024xi32> to vector<1025x1024xi32>
    %eq3A_4 = arith.cmpi eq, %iota3A, %eq3A : vector<1025x1024xi32>
    %convert_element_type3A = arith.extui %eq3A_4 : vector<1025x1024xi1> to vector<1025x1024xi32>
    %broadcast_in_dim3A = arith.constant 0 : i32
    %broadcast_in_dim3A_5 = vector.broadcast %broadcast_in_dim3A : i32 to vector<1025x1xi32>
    %slice3A = vector.extract_strided_slice %convert_element_type3A {offsets = [0, 0], sizes = [1025, 1023], strides = [1, 1]} : vector<1025x1024xi32> to vector<1025x1023xi32>
    %concatenate3A = tpu.concatenate %broadcast_in_dim3A_5, %slice3A in 1 : vector<1025x1xi32>, vector<1025x1023xi32> -> vector<1025x1024xi32>
    %add3A = arith.addi %convert_element_type3A, %concatenate3A : vector<1025x1024xi32>
    %broadcast_in_dim3A_6 = arith.constant 0 : i32
    %broadcast_in_dim3A_7 = vector.broadcast %broadcast_in_dim3A_6 : i32 to vector<1025x2xi32>
    %slice3A_8 = vector.extract_strided_slice %add3A {offsets = [0, 0], sizes = [1025, 1022], strides = [1, 1]} : vector<1025x1024xi32> to vector<1025x1022xi32>
    %concatenate3A_9 = tpu.concatenate %broadcast_in_dim3A_7, %slice3A_8 in 1 : vector<1025x2xi32>, vector<1025x1022xi32> -> vector<1025x1024xi32>
    %add3A_10 = arith.addi %add3A, %concatenate3A_9 : vector<1025x1024xi32>
    %broadcast_in_dim3A_11 = arith.constant 0 : i32
    %broadcast_in_dim3A_12 = vector.broadcast %broadcast_in_dim3A_11 : i32 to vector<1025x4xi32>
    %slice3A_13 = vector.extract_strided_slice %add3A_10 {offsets = [0, 0], sizes = [1025, 1020], strides = [1, 1]} : vector<1025x1024xi32> to vector<1025x1020xi32>
    %concatenate3A_14 = tpu.concatenate %broadcast_in_dim3A_12, %slice3A_13 in 1 : vector<1025x4xi32>, vector<1025x1020xi32> -> vector<1025x1024xi32>
    %add3A_15 = arith.addi %add3A_10, %concatenate3A_14 : vector<1025x1024xi32>
    %broadcast_in_dim3A_16 = arith.constant 0 : i32
    %broadcast_in_dim3A_17 = vector.broadcast %broadcast_in_dim3A_16 : i32 to vector<1025x8xi32>
    %slice3A_18 = vector.extract_strided_slice %add3A_15 {offsets = [0, 0], sizes = [1025, 1016], strides = [1, 1]} : vector<1025x1024xi32> to vector<1025x1016xi32>
    %concatenate3A_19 = tpu.concatenate %broadcast_in_dim3A_17, %slice3A_18 in 1 : vector<1025x8xi32>, vector<1025x1016xi32> -> vector<1025x1024xi32>
    %add3A_20 = arith.addi %add3A_15, %concatenate3A_19 : vector<1025x1024xi32>
    %broadcast_in_dim3A_21 = arith.constant 0 : i32
    %broadcast_in_dim3A_22 = vector.broadcast %broadcast_in_dim3A_21 : i32 to vector<1025x16xi32>
    %slice3A_23 = vector.extract_strided_slice %add3A_20 {offsets = [0, 0], sizes = [1025, 1008], strides = [1, 1]} : vector<1025x1024xi32> to vector<1025x1008xi32>
    %concatenate3A_24 = tpu.concatenate %broadcast_in_dim3A_22, %slice3A_23 in 1 : vector<1025x16xi32>, vector<1025x1008xi32> -> vector<1025x1024xi32>
    %add3A_25 = arith.addi %add3A_20, %concatenate3A_24 : vector<1025x1024xi32>
    %broadcast_in_dim3A_26 = arith.constant 0 : i32
    %broadcast_in_dim3A_27 = vector.broadcast %broadcast_in_dim3A_26 : i32 to vector<1025x32xi32>
    %slice3A_28 = vector.extract_strided_slice %add3A_25 {offsets = [0, 0], sizes = [1025, 992], strides = [1, 1]} : vector<1025x1024xi32> to vector<1025x992xi32>
    %concatenate3A_29 = tpu.concatenate %broadcast_in_dim3A_27, %slice3A_28 in 1 : vector<1025x32xi32>, vector<1025x992xi32> -> vector<1025x1024xi32>
    %add3A_30 = arith.addi %add3A_25, %concatenate3A_29 : vector<1025x1024xi32>
    %broadcast_in_dim3A_31 = arith.constant 0 : i32
    %broadcast_in_dim3A_32 = vector.broadcast %broadcast_in_dim3A_31 : i32 to vector<1025x64xi32>
    %slice3A_33 = vector.extract_strided_slice %add3A_30 {offsets = [0, 0], sizes = [1025, 960], strides = [1, 1]} : vector<1025x1024xi32> to vector<1025x960xi32>
    %concatenate3A_34 = tpu.concatenate %broadcast_in_dim3A_32, %slice3A_33 in 1 : vector<1025x64xi32>, vector<1025x960xi32> -> vector<1025x1024xi32>
    %add3A_35 = arith.addi %add3A_30, %concatenate3A_34 : vector<1025x1024xi32>
    %broadcast_in_dim3A_36 = arith.constant 0 : i32
    %broadcast_in_dim3A_37 = vector.broadcast %broadcast_in_dim3A_36 : i32 to vector<1025x128xi32>
    %slice3A_38 = vector.extract_strided_slice %add3A_35 {offsets = [0, 0], sizes = [1025, 896], strides = [1, 1]} : vector<1025x1024xi32> to vector<1025x896xi32>
    %concatenate3A_39 = tpu.concatenate %broadcast_in_dim3A_37, %slice3A_38 in 1 : vector<1025x128xi32>, vector<1025x896xi32> -> vector<1025x1024xi32>
    %add3A_40 = arith.addi %add3A_35, %concatenate3A_39 : vector<1025x1024xi32>
    %broadcast_in_dim3A_41 = arith.constant 0 : i32
    %broadcast_in_dim3A_42 = vector.broadcast %broadcast_in_dim3A_41 : i32 to vector<1025x256xi32>
    %slice3A_43 = vector.extract_strided_slice %add3A_40 {offsets = [0, 0], sizes = [1025, 768], strides = [1, 1]} : vector<1025x1024xi32> to vector<1025x768xi32>
    %concatenate3A_44 = tpu.concatenate %broadcast_in_dim3A_42, %slice3A_43 in 1 : vector<1025x256xi32>, vector<1025x768xi32> -> vector<1025x1024xi32>
    %add3A_45 = arith.addi %add3A_40, %concatenate3A_44 : vector<1025x1024xi32>
    %broadcast_in_dim3A_46 = arith.constant 0 : i32
    %broadcast_in_dim3A_47 = vector.broadcast %broadcast_in_dim3A_46 : i32 to vector<1025x512xi32>
    %slice3A_48 = vector.extract_strided_slice %add3A_45 {offsets = [0, 0], sizes = [1025, 512], strides = [1, 1]} : vector<1025x1024xi32> to vector<1025x512xi32>
    %concatenate3A_49 = tpu.concatenate %broadcast_in_dim3A_47, %slice3A_48 in 1 : vector<1025x512xi32>, vector<1025x512xi32> -> vector<1025x1024xi32>
    %add3A_50 = arith.addi %add3A_45, %concatenate3A_49 : vector<1025x1024xi32>
    %sub3A = arith.subi %add3A_50, %convert_element_type3A : vector<1025x1024xi32>
    %slice3A_51 = vector.extract_strided_slice %add3A_50 {offsets = [0, 1023], sizes = [1025, 1], strides = [1, 1]} : vector<1025x1024xi32> to vector<1025x1xi32>
    %convert_element_type3A_52 = arith.sitofp %slice3A_51 : vector<1025x1xi32> to vector<1025x1xf32>
    %iota3A_53 = tpu.iota {dimensions = array<i32: 0>} : vector<1025x1025xi32>
    %iota3A_54 = tpu.iota {dimensions = array<i32: 1>} : vector<1025x1025xi32>
    %gt3A = arith.cmpi sgt, %iota3A_53, %iota3A_54 : vector<1025x1025xi32>
    %convert_element_type3A_55 = arith.extui %gt3A : vector<1025x1025xi1> to vector<1025x1025xi32>
    %convert_element_type3A_56 = arith.sitofp %convert_element_type3A_55 : vector<1025x1025xi32> to vector<1025x1025xf32>
    %dot_general3A = arith.constant dense<0.000000e+00> : vector<1025x1xf32>
    %dot_general3A_57 = tpu.matmul %convert_element_type3A_56, %convert_element_type3A_52, %dot_general3A {dimension_numbers = #tpu.dot_dimension_numbers<[1], [0], [0], [1], [0, 0, 1, 1], [], []>, transpose_lhs_hint = false} : vector<1025x1025xf32>, vector<1025x1xf32>, vector<1025x1xf32> -> vector<1025x1xf32>
    %convert_element_type3A_58 = arith.fptosi %dot_general3A_57 : vector<1025x1xf32> to vector<1025x1xi32>
    %add3A_59 = vector.broadcast %convert_element_type3A_58 : vector<1025x1xi32> to vector<1025x1024xi32>
    %add3A_60 = arith.addi %add3A_59, %sub3A : vector<1025x1024xi32>
    %swap3A = arith.constant 0 : index
    %swap3A_61 = arith.constant 0 : index
    %swap3A_62 = arith.constant 0 : index
    %swap3A_63 = vector.load %arg2[%swap3A, %swap3A_61, %swap3A_62] : memref<1x1025x1024xi32, #tpu.memory_space<vmem>>, vector<1x1025x1024xi32>
    %swap3A_64 = vector.shape_cast %swap3A_63 : vector<1x1025x1024xi32> to vector<1025x1024xi32>
    %swap3A_65 = vector.shape_cast %add3A_60 : vector<1025x1024xi32> to vector<1x1025x1024xi32>
    tpu.vector_store %arg2[%swap3A, %swap3A_61, %swap3A_62], %swap3A_65 {strides = array<i32>} : memref<1x1025x1024xi32, #tpu.memory_space<vmem>>, vector<1x1025x1024xi32>,
    return
  }
  func.func @transform_0(%arg0: i32) -> (i32, i32, i32) {
    %c0_i32 = arith.constant 0 : i32
    %c0_i32_0 = arith.constant 0 : i32
    %c0_i32_1 = arith.constant 0 : i32
    return %arg0, %c0_i32, %c0_i32_0 : i32, i32, i32
  }
  func.func @transform_1(%arg0: i32) -> (i32, i32, i32) {
    %c0_i32 = arith.constant 0 : i32
    %c0_i32_0 = arith.constant 0 : i32
    %c0_i32_1 = arith.constant 0 : i32
    return %arg0, %c0_i32, %c0_i32_0 : i32, i32, i32
  }
}

module attributes {stable_mosaic.version = 14 : i64} {
  func.func @_dense_body(%arg0: i32, %arg1: memref<1x1025x1025xf32, #tpu.memory_space<vmem>>, %arg2: memref<1x1x1024xi32, #tpu.memory_space<vmem>>, %arg3: memref<1x1x1024xi32, #tpu.memory_space<vmem>>, %arg4: memref<1x1x128xf32, #tpu.memory_space<vmem>>, %arg5: memref<1x1x1024xf32, #tpu.memory_space<vmem>>) attributes {dimension_semantics = [#tpu.dimension_semantics<arbitrary>], iteration_bounds = array<i64: 16>, scalar_prefetch = 0 : i64, scratch_operands = 0 : i64, tpu.core_type = #tpu.core_type<tc>, window_params = [{transform_indices = @transform_0, window_bounds = array<i64: 1, 1025, 1025>}, {transform_indices = @transform_1, window_bounds = array<i64: 1, 1, 1024>}, {transform_indices = @transform_2, window_bounds = array<i64: 1, 1, 1024>}, {transform_indices = @transform_3, window_bounds = array<i64: 1, 1, 128>}, {transform_indices = @transform_4, window_bounds = array<i64: 1, 1, 1024>}]} {
    %get3A = arith.constant 0 : index
    %get3A_0 = arith.constant 0 : index
    %get3A_1 = arith.constant 0 : index
    %get3A_2 = vector.load %arg1[%get3A, %get3A_0, %get3A_1] : memref<1x1025x1025xf32, #tpu.memory_space<vmem>>, vector<1x1025x1025xf32>
    %get3A_3 = vector.shape_cast %get3A_2 : vector<1x1025x1025xf32> to vector<1025x1025xf32>
    %get3A_4 = arith.constant 0 : index
    %get3A_5 = arith.constant 0 : index
    %get3A_6 = arith.constant 0 : index
    %get3A_7 = vector.load %arg2[%get3A_4, %get3A_5, %get3A_6] : memref<1x1x1024xi32, #tpu.memory_space<vmem>>, vector<1x1x1024xi32>
    %get3A_8 = vector.shape_cast %get3A_7 : vector<1x1x1024xi32> to vector<1x1024xi32>
    %get3A_9 = arith.constant 0 : index
    %get3A_10 = arith.constant 0 : index
    %get3A_11 = arith.constant 0 : index
    %get3A_12 = vector.load %arg3[%get3A_9, %get3A_10, %get3A_11] : memref<1x1x1024xi32, #tpu.memory_space<vmem>>, vector<1x1x1024xi32>
    %get3A_13 = vector.shape_cast %get3A_12 : vector<1x1x1024xi32> to vector<1x1024xi32>
    %slice3A = vector.extract_strided_slice %get3A_3 {offsets = [0, 0], sizes = [1024, 1024], strides = [1, 1]} : vector<1025x1025xf32> to vector<1024x1024xf32>
    %slice3A_14 = vector.extract_strided_slice %get3A_3 {offsets = [0, 1024], sizes = [1024, 1], strides = [1, 1]} : vector<1025x1025xf32> to vector<1024x1xf32>
    %slice3A_15 = vector.extract_strided_slice %get3A_3 {offsets = [1024, 0], sizes = [1, 1024], strides = [1, 1]} : vector<1025x1025xf32> to vector<1x1024xf32>
    %iota3A = tpu.iota {dimensions = array<i32: 1>} : vector<1024x1024xi32>
    %iota3A_16 = tpu.iota {dimensions = array<i32: 0>} : vector<1024x1024xi32>
    %eq3A = arith.cmpi eq, %iota3A, %iota3A_16 : vector<1024x1024xi32>
    %convert_element_type3A = arith.extui %eq3A : vector<1024x1024xi1> to vector<1024x1024xi32>
    %convert_element_type3A_17 = arith.sitofp %convert_element_type3A : vector<1024x1024xi32> to vector<1024x1024xf32>
    %convert_element_type3A_18 = arith.sitofp %get3A_8 : vector<1x1024xi32> to vector<1x1024xf32>
    %dot_general3A = arith.constant dense<0.000000e+00> : vector<1024x1xf32>
    %dot_general3A_19 = tpu.matmul %convert_element_type3A_17, %convert_element_type3A_18, %dot_general3A {dimension_numbers = #tpu.dot_dimension_numbers<[1], [1], [0], [0], [0, 0, 1, 0], [], []>, transpose_lhs_hint = false} : vector<1024x1024xf32>, vector<1x1024xf32>, vector<1024x1xf32> -> vector<1024x1xf32>
    %convert_element_type3A_20 = arith.sitofp %get3A_13 : vector<1x1024xi32> to vector<1x1024xf32>
    %dot_general3A_21 = arith.constant dense<0.000000e+00> : vector<1024x1xf32>
    %dot_general3A_22 = tpu.matmul %convert_element_type3A_17, %convert_element_type3A_20, %dot_general3A_21 {dimension_numbers = #tpu.dot_dimension_numbers<[1], [1], [0], [0], [0, 0, 1, 0], [], []>, transpose_lhs_hint = false} : vector<1024x1024xf32>, vector<1x1024xf32>, vector<1024x1xf32> -> vector<1024x1xf32>
    %convert_element_type3A_23 = arith.fptosi %dot_general3A_19 : vector<1024x1xf32> to vector<1024x1xi32>
    %reduce_sum3A = arith.constant dense<0.000000e+00> : vector<1024xf32>
    %reduce_sum3A_24 = vector.multi_reduction <add>, %slice3A, %reduce_sum3A [1] : vector<1024x1024xf32> to vector<1024xf32>
    %broadcast_in_dim3A = vector.shape_cast %reduce_sum3A_24 : vector<1024xf32> to vector<1024x1xf32>
    %add3A = arith.addf %broadcast_in_dim3A, %slice3A_14 : vector<1024x1xf32>
    %mul3A = arith.mulf %slice3A, %slice3A : vector<1024x1024xf32>
    %reduce_sum3A_25 = arith.constant dense<0.000000e+00> : vector<1024xf32>
    %reduce_sum3A_26 = vector.multi_reduction <add>, %mul3A, %reduce_sum3A_25 [1] : vector<1024x1024xf32> to vector<1024xf32>
    %broadcast_in_dim3A_27 = vector.shape_cast %reduce_sum3A_26 : vector<1024xf32> to vector<1024x1xf32>
    %mul3A_28 = arith.mulf %slice3A_14, %slice3A_14 : vector<1024x1xf32>
    %add3A_29 = arith.addf %broadcast_in_dim3A_27, %mul3A_28 : vector<1024x1xf32>
    %reduce_max3A = arith.constant dense<0xFF800000> : vector<1024xf32>
    %reduce_max3A_30 = vector.multi_reduction <maximumf>, %slice3A, %reduce_max3A [1] : vector<1024x1024xf32> to vector<1024xf32>
    %broadcast_in_dim3A_31 = vector.shape_cast %reduce_max3A_30 : vector<1024xf32> to vector<1024x1xf32>
    %eq3A_32 = vector.broadcast %broadcast_in_dim3A_31 : vector<1024x1xf32> to vector<1024x1024xf32>
    %eq3A_33 = arith.cmpf oeq, %slice3A, %eq3A_32 : vector<1024x1024xf32>
    %jit3A = arith.constant 1073741824 : i32
    %broadcast_in_dim3A_34 = vector.broadcast %jit3A : i32 to vector<1024x1024xi32>
    %select_n3A = arith.select %eq3A_33, %iota3A, %broadcast_in_dim3A_34 : vector<1024x1024xi1>, vector<1024x1024xi32>
    %reduce_min3A = arith.constant dense<2147483647> : vector<1024xi32>
    %reduce_min3A_35 = vector.multi_reduction <minsi>, %select_n3A, %reduce_min3A [1] : vector<1024x1024xi32> to vector<1024xi32>
    %broadcast_in_dim3A_36 = vector.shape_cast %reduce_min3A_35 : vector<1024xi32> to vector<1024x1xi32>
    %max3A = arith.maximumf %broadcast_in_dim3A_31, %slice3A_14 : vector<1024x1xf32>
    %ge3A = arith.cmpf oge, %broadcast_in_dim3A_31, %slice3A_14 : vector<1024x1xf32>
    %jit3A_37 = arith.constant 1024 : i32
    %broadcast_in_dim3A_38 = vector.broadcast %jit3A_37 : i32 to vector<1024x1xi32>
    %select_n3A_39 = arith.select %ge3A, %broadcast_in_dim3A_36, %broadcast_in_dim3A_38 : vector<1024x1xi1>, vector<1024x1xi32>
    %eq3A_40 = vector.broadcast %broadcast_in_dim3A_36 : vector<1024x1xi32> to vector<1024x1024xi32>
    %eq3A_41 = arith.cmpi eq, %iota3A, %eq3A_40 : vector<1024x1024xi32>
    %jit3A_42 = arith.constant 0xFF800000 : f32
    %broadcast_in_dim3A_43 = vector.broadcast %jit3A_42 : f32 to vector<1024x1024xf32>
    %select_n3A_44 = arith.select %eq3A_41, %broadcast_in_dim3A_43, %slice3A : vector<1024x1024xi1>, vector<1024x1024xf32>
    %reduce_max3A_45 = arith.constant dense<0xFF800000> : vector<1024xf32>
    %reduce_max3A_46 = vector.multi_reduction <maximumf>, %select_n3A_44, %reduce_max3A_45 [1] : vector<1024x1024xf32> to vector<1024xf32>
    %broadcast_in_dim3A_47 = vector.shape_cast %reduce_max3A_46 : vector<1024xf32> to vector<1024x1xf32>
    %eq3A_48 = arith.constant 1024 : i32
    %eq3A_49 = vector.broadcast %eq3A_48 : i32 to vector<1024x1xi32>
    %eq3A_50 = arith.cmpi eq, %select_n3A_39, %eq3A_49 : vector<1024x1xi32>
    %max3A_51 = arith.maximumf %broadcast_in_dim3A_47, %slice3A_14 : vector<1024x1xf32>
    %select_n3A_52 = arith.select %eq3A_50, %broadcast_in_dim3A_31, %max3A_51 : vector<1024x1xi1>, vector<1024x1xf32>
    %eq3A_53 = vector.broadcast %convert_element_type3A_23 : vector<1024x1xi32> to vector<1024x1024xi32>
    %eq3A_54 = arith.cmpi eq, %iota3A, %eq3A_53 : vector<1024x1024xi32>
    %jit3A_55 = arith.constant 0.000000e+00 : f32
    %broadcast_in_dim3A_56 = vector.broadcast %jit3A_55 : f32 to vector<1024x1024xf32>
    %select_n3A_57 = arith.select %eq3A_54, %slice3A, %broadcast_in_dim3A_56 : vector<1024x1024xi1>, vector<1024x1024xf32>
    %reduce_sum3A_58 = arith.constant dense<0.000000e+00> : vector<1024xf32>
    %reduce_sum3A_59 = vector.multi_reduction <add>, %select_n3A_57, %reduce_sum3A_58 [1] : vector<1024x1024xf32> to vector<1024xf32>
    %broadcast_in_dim3A_60 = vector.shape_cast %reduce_sum3A_59 : vector<1024xf32> to vector<1024x1xf32>
    %eq3A_61 = arith.constant 1024 : i32
    %eq3A_62 = vector.broadcast %eq3A_61 : i32 to vector<1024x1xi32>
    %eq3A_63 = arith.cmpi eq, %convert_element_type3A_23, %eq3A_62 : vector<1024x1xi32>
    %jit3A_64 = arith.constant 0.000000e+00 : f32
    %broadcast_in_dim3A_65 = vector.broadcast %jit3A_64 : f32 to vector<1024x1xf32>
    %select_n3A_66 = arith.select %eq3A_63, %slice3A_14, %broadcast_in_dim3A_65 : vector<1024x1xi1>, vector<1024x1xf32>
    %add3A_67 = arith.addf %broadcast_in_dim3A_60, %select_n3A_66 : vector<1024x1xf32>
    %eq3A_68 = arith.cmpi eq, %select_n3A_39, %convert_element_type3A_23 : vector<1024x1xi32>
    %select_n3A_69 = arith.select %eq3A_68, %select_n3A_52, %max3A : vector<1024x1xi1>, vector<1024x1xf32>
    %sub3A = arith.subf %add3A_67, %select_n3A_69 : vector<1024x1xf32>
    %add3A_70 = arith.constant 5.000000e-01 : f32
    %add3A_71 = vector.broadcast %add3A_70 : f32 to vector<1024x1xf32>
    %add3A_72 = arith.addf %sub3A, %add3A_71 : vector<1024x1xf32>
    %max3A_73 = arith.constant 0.000000e+00 : f32
    %max3A_74 = vector.broadcast %max3A_73 : f32 to vector<1024x1xf32>
    %max3A_75 = arith.maximumf %add3A_72, %max3A_74 : vector<1024x1xf32>
    %reduce_sum3A_76 = vector.shape_cast %max3A_75 : vector<1024x1xf32> to vector<1x1024x1xf32>
    %reduce_sum3A_77 = arith.constant dense<0.000000e+00> : vector<1xf32>
    %reduce_sum3A_78 = vector.multi_reduction <add>, %reduce_sum3A_76, %reduce_sum3A_77 [1, 2] : vector<1x1024x1xf32> to vector<1xf32>
    %reduce_sum3A_79 = vector.shape_cast %reduce_sum3A_78 : vector<1xf32> to vector<1x1x1xf32>
    %reduce_sum3A_80 = vector.extract %reduce_sum3A_79[0, 0, 0] : f32 from vector<1x1x1xf32>
    %sub3A_81 = arith.subf %add3A, %add3A_67 : vector<1024x1xf32>
    %mul3A_82 = arith.constant 1.024000e+03 : f32
    %mul3A_83 = vector.broadcast %mul3A_82 : f32 to vector<1024x1xf32>
    %mul3A_84 = arith.mulf %mul3A_83, %add3A_67 : vector<1024x1xf32>
    %sub3A_85 = arith.subf %sub3A_81, %mul3A_84 : vector<1024x1xf32>
    %reduce_sum3A_86 = vector.shape_cast %sub3A_85 : vector<1024x1xf32> to vector<1x1024x1xf32>
    %reduce_sum3A_87 = arith.constant dense<0.000000e+00> : vector<1xf32>
    %reduce_sum3A_88 = vector.multi_reduction <add>, %reduce_sum3A_86, %reduce_sum3A_87 [1, 2] : vector<1x1024x1xf32> to vector<1xf32>
    %reduce_sum3A_89 = vector.shape_cast %reduce_sum3A_88 : vector<1xf32> to vector<1x1x1xf32>
    %reduce_sum3A_90 = vector.extract %reduce_sum3A_89[0, 0, 0] : f32 from vector<1x1x1xf32>
    %mul3A_91 = arith.mulf %add3A_67, %add3A_67 : vector<1024x1xf32>
    %sub3A_92 = arith.subf %add3A_29, %mul3A_91 : vector<1024x1xf32>
    %mul3A_93 = arith.constant 2.000000e+00 : f32
    %mul3A_94 = vector.broadcast %mul3A_93 : f32 to vector<1024x1xf32>
    %mul3A_95 = arith.mulf %mul3A_94, %add3A_67 : vector<1024x1xf32>
    %mul3A_96 = arith.mulf %mul3A_95, %sub3A_81 : vector<1024x1xf32>
    %sub3A_97 = arith.subf %sub3A_92, %mul3A_96 : vector<1024x1xf32>
    %mul3A_98 = arith.constant 1.024000e+03 : f32
    %mul3A_99 = vector.broadcast %mul3A_98 : f32 to vector<1024x1xf32>
    %mul3A_100 = arith.mulf %mul3A_99, %add3A_67 : vector<1024x1xf32>
    %mul3A_101 = arith.mulf %mul3A_100, %add3A_67 : vector<1024x1xf32>
    %add3A_102 = arith.addf %sub3A_97, %mul3A_101 : vector<1024x1xf32>
    %reduce_sum3A_103 = vector.shape_cast %add3A_102 : vector<1024x1xf32> to vector<1x1024x1xf32>
    %reduce_sum3A_104 = arith.constant dense<0.000000e+00> : vector<1xf32>
    %reduce_sum3A_105 = vector.multi_reduction <add>, %reduce_sum3A_103, %reduce_sum3A_104 [1, 2] : vector<1x1024x1xf32> to vector<1xf32>
    %reduce_sum3A_106 = vector.shape_cast %reduce_sum3A_105 : vector<1xf32> to vector<1x1x1xf32>
    %reduce_sum3A_107 = vector.extract %reduce_sum3A_106[0, 0, 0] : f32 from vector<1x1x1xf32>
    %reduce_sum3A_108 = arith.constant dense<0.000000e+00> : vector<1024xf32>
    %reduce_sum3A_109 = vector.multi_reduction <add>, %slice3A, %reduce_sum3A_108 [0] : vector<1024x1024xf32> to vector<1024xf32>
    %broadcast_in_dim3A_110 = vector.shape_cast %reduce_sum3A_109 : vector<1024xf32> to vector<1x1024xf32>
    %add3A_111 = arith.addf %broadcast_in_dim3A_110, %slice3A_15 : vector<1x1024xf32>
    %mul3A_112 = arith.mulf %slice3A, %slice3A : vector<1024x1024xf32>
    %reduce_sum3A_113 = arith.constant dense<0.000000e+00> : vector<1024xf32>
    %reduce_sum3A_114 = vector.multi_reduction <add>, %mul3A_112, %reduce_sum3A_113 [0] : vector<1024x1024xf32> to vector<1024xf32>
    %broadcast_in_dim3A_115 = vector.shape_cast %reduce_sum3A_114 : vector<1024xf32> to vector<1x1024xf32>
    %mul3A_116 = arith.mulf %slice3A_15, %slice3A_15 : vector<1x1024xf32>
    %add3A_117 = arith.addf %broadcast_in_dim3A_115, %mul3A_116 : vector<1x1024xf32>
    %reduce_sum3A_118 = vector.shape_cast %add3A_111 : vector<1x1024xf32> to vector<1x1x1024xf32>
    %reduce_sum3A_119 = arith.constant dense<0.000000e+00> : vector<1xf32>
    %reduce_sum3A_120 = vector.multi_reduction <add>, %reduce_sum3A_118, %reduce_sum3A_119 [1, 2] : vector<1x1x1024xf32> to vector<1xf32>
    %reduce_sum3A_121 = vector.shape_cast %reduce_sum3A_120 : vector<1xf32> to vector<1x1x1xf32>
    %reduce_sum3A_122 = vector.extract %reduce_sum3A_121[0, 0, 0] : f32 from vector<1x1x1xf32>
    %reduce_sum3A_123 = vector.shape_cast %add3A_117 : vector<1x1024xf32> to vector<1x1x1024xf32>
    %reduce_sum3A_124 = arith.constant dense<0.000000e+00> : vector<1xf32>
    %reduce_sum3A_125 = vector.multi_reduction <add>, %reduce_sum3A_123, %reduce_sum3A_124 [1, 2] : vector<1x1x1024xf32> to vector<1xf32>
    %reduce_sum3A_126 = vector.shape_cast %reduce_sum3A_125 : vector<1xf32> to vector<1x1x1xf32>
    %reduce_sum3A_127 = vector.extract %reduce_sum3A_126[0, 0, 0] : f32 from vector<1x1x1xf32>
    %reduce_max3A_128 = arith.constant dense<0xFF800000> : vector<1024xf32>
    %reduce_max3A_129 = vector.multi_reduction <maximumf>, %slice3A, %reduce_max3A_128 [0] : vector<1024x1024xf32> to vector<1024xf32>
    %broadcast_in_dim3A_130 = vector.shape_cast %reduce_max3A_129 : vector<1024xf32> to vector<1x1024xf32>
    %eq3A_131 = vector.broadcast %broadcast_in_dim3A_130 : vector<1x1024xf32> to vector<1024x1024xf32>
    %eq3A_132 = arith.cmpf oeq, %slice3A, %eq3A_131 : vector<1024x1024xf32>
    %jit3A_133 = arith.constant 1073741824 : i32
    %broadcast_in_dim3A_134 = vector.broadcast %jit3A_133 : i32 to vector<1024x1024xi32>
    %select_n3A_135 = arith.select %eq3A_132, %iota3A_16, %broadcast_in_dim3A_134 : vector<1024x1024xi1>, vector<1024x1024xi32>
    %reduce_min3A_136 = arith.constant dense<2147483647> : vector<1024xi32>
    %reduce_min3A_137 = vector.multi_reduction <minsi>, %select_n3A_135, %reduce_min3A_136 [0] : vector<1024x1024xi32> to vector<1024xi32>
    %broadcast_in_dim3A_138 = vector.shape_cast %reduce_min3A_137 : vector<1024xi32> to vector<1x1024xi32>
    %max3A_139 = arith.maximumf %broadcast_in_dim3A_130, %slice3A_15 : vector<1x1024xf32>
    %ge3A_140 = arith.cmpf oge, %broadcast_in_dim3A_130, %slice3A_15 : vector<1x1024xf32>
    %jit3A_141 = arith.constant 1024 : i32
    %broadcast_in_dim3A_142 = vector.broadcast %jit3A_141 : i32 to vector<1x1024xi32>
    %select_n3A_143 = arith.select %ge3A_140, %broadcast_in_dim3A_138, %broadcast_in_dim3A_142 : vector<1x1024xi1>, vector<1x1024xi32>
    %eq3A_144 = vector.broadcast %broadcast_in_dim3A_138 : vector<1x1024xi32> to vector<1024x1024xi32>
    %eq3A_145 = arith.cmpi eq, %iota3A_16, %eq3A_144 : vector<1024x1024xi32>
    %jit3A_146 = arith.constant 0xFF800000 : f32
    %broadcast_in_dim3A_147 = vector.broadcast %jit3A_146 : f32 to vector<1024x1024xf32>
    %select_n3A_148 = arith.select %eq3A_145, %broadcast_in_dim3A_147, %slice3A : vector<1024x1024xi1>, vector<1024x1024xf32>
    %reduce_max3A_149 = arith.constant dense<0xFF800000> : vector<1024xf32>
    %reduce_max3A_150 = vector.multi_reduction <maximumf>, %select_n3A_148, %reduce_max3A_149 [0] : vector<1024x1024xf32> to vector<1024xf32>
    %broadcast_in_dim3A_151 = vector.shape_cast %reduce_max3A_150 : vector<1024xf32> to vector<1x1024xf32>
    %eq3A_152 = arith.constant 1024 : i32
    %eq3A_153 = vector.broadcast %eq3A_152 : i32 to vector<1x1024xi32>
    %eq3A_154 = arith.cmpi eq, %select_n3A_143, %eq3A_153 : vector<1x1024xi32>
    %max3A_155 = arith.maximumf %broadcast_in_dim3A_151, %slice3A_15 : vector<1x1024xf32>
    %select_n3A_156 = arith.select %eq3A_154, %broadcast_in_dim3A_130, %max3A_155 : vector<1x1024xi1>, vector<1x1024xf32>
    %eq3A_157 = vector.broadcast %get3A_13 : vector<1x1024xi32> to vector<1024x1024xi32>
    %eq3A_158 = arith.cmpi eq, %iota3A_16, %eq3A_157 : vector<1024x1024xi32>
    %jit3A_159 = arith.constant 0.000000e+00 : f32
    %broadcast_in_dim3A_160 = vector.broadcast %jit3A_159 : f32 to vector<1024x1024xf32>
    %select_n3A_161 = arith.select %eq3A_158, %slice3A, %broadcast_in_dim3A_160 : vector<1024x1024xi1>, vector<1024x1024xf32>
    %reduce_sum3A_162 = arith.constant dense<0.000000e+00> : vector<1024xf32>
    %reduce_sum3A_163 = vector.multi_reduction <add>, %select_n3A_161, %reduce_sum3A_162 [0] : vector<1024x1024xf32> to vector<1024xf32>
    %broadcast_in_dim3A_164 = vector.shape_cast %reduce_sum3A_163 : vector<1024xf32> to vector<1x1024xf32>
    %eq3A_165 = arith.constant 1024 : i32
    %eq3A_166 = vector.broadcast %eq3A_165 : i32 to vector<1x1024xi32>
    %eq3A_167 = arith.cmpi eq, %get3A_13, %eq3A_166 : vector<1x1024xi32>
    %jit3A_168 = arith.constant 0.000000e+00 : f32
    %broadcast_in_dim3A_169 = vector.broadcast %jit3A_168 : f32 to vector<1x1024xf32>
    %select_n3A_170 = arith.select %eq3A_167, %slice3A_15, %broadcast_in_dim3A_169 : vector<1x1024xi1>, vector<1x1024xf32>
    %add3A_171 = arith.addf %broadcast_in_dim3A_164, %select_n3A_170 : vector<1x1024xf32>
    %eq3A_172 = arith.cmpi eq, %select_n3A_143, %get3A_13 : vector<1x1024xi32>
    %select_n3A_173 = arith.select %eq3A_172, %select_n3A_156, %max3A_139 : vector<1x1024xi1>, vector<1x1024xf32>
    %convert_element_type3A_174 = arith.sitofp %get3A_13 : vector<1x1024xi32> to vector<1x1024xf32>
    %lt3A = vector.broadcast %convert_element_type3A_174 : vector<1x1024xf32> to vector<1024x1024xf32>
    %lt3A_175 = vector.broadcast %dot_general3A_22 : vector<1024x1xf32> to vector<1024x1024xf32>
    %lt3A_176 = arith.cmpf olt, %lt3A, %lt3A_175 : vector<1024x1024xf32>
    %convert_element_type3A_177 = arith.extui %lt3A_176 : vector<1024x1024xi1> to vector<1024x1024xi32>
    %convert_element_type3A_178 = arith.sitofp %convert_element_type3A_177 : vector<1024x1024xi32> to vector<1024x1024xf32>
    %eq3A_179 = vector.broadcast %convert_element_type3A_174 : vector<1x1024xf32> to vector<1024x1024xf32>
    %eq3A_180 = vector.broadcast %dot_general3A_22 : vector<1024x1xf32> to vector<1024x1024xf32>
    %eq3A_181 = arith.cmpf oeq, %eq3A_179, %eq3A_180 : vector<1024x1024xf32>
    %convert_element_type3A_182 = arith.extui %eq3A_181 : vector<1024x1024xi1> to vector<1024x1024xi32>
    %convert_element_type3A_183 = arith.sitofp %convert_element_type3A_182 : vector<1024x1024xi32> to vector<1024x1024xf32>
    %lt3A_184 = arith.cmpi slt, %iota3A, %iota3A_16 : vector<1024x1024xi32>
    %convert_element_type3A_185 = arith.extui %lt3A_184 : vector<1024x1024xi1> to vector<1024x1024xi32>
    %convert_element_type3A_186 = arith.sitofp %convert_element_type3A_185 : vector<1024x1024xi32> to vector<1024x1024xf32>
    %mul3A_187 = arith.mulf %convert_element_type3A_183, %convert_element_type3A_186 : vector<1024x1024xf32>
    %add3A_188 = arith.addf %convert_element_type3A_178, %mul3A_187 : vector<1024x1024xf32>
    %reduce_sum3A_189 = arith.constant dense<0.000000e+00> : vector<1024xf32>
    %reduce_sum3A_190 = vector.multi_reduction <add>, %add3A_188, %reduce_sum3A_189 [1] : vector<1024x1024xf32> to vector<1024xf32>
    %broadcast_in_dim3A_191 = vector.shape_cast %reduce_sum3A_190 : vector<1024xf32> to vector<1024x1xf32>
    %convert_element_type3A_192 = arith.sitofp %iota3A : vector<1024x1024xi32> to vector<1024x1024xf32>
    %eq3A_193 = vector.broadcast %broadcast_in_dim3A_191 : vector<1024x1xf32> to vector<1024x1024xf32>
    %eq3A_194 = arith.cmpf oeq, %eq3A_193, %convert_element_type3A_192 : vector<1024x1024xf32>
    %convert_element_type3A_195 = arith.extui %eq3A_194 : vector<1024x1024xi1> to vector<1024x1024xi32>
    %convert_element_type3A_196 = arith.sitofp %convert_element_type3A_195 : vector<1024x1024xi32> to vector<1024x1024xf32>
    %dot_general3A_197 = arith.constant dense<0.000000e+00> : vector<1x1024xf32>
    %dot_general3A_198 = tpu.matmul %add3A_171, %convert_element_type3A_196, %dot_general3A_197 {dimension_numbers = #tpu.dot_dimension_numbers<[1], [0], [0], [1], [0, 0, 1, 1], [], []>, transpose_lhs_hint = false} : vector<1x1024xf32>, vector<1024x1024xf32>, vector<1x1024xf32> -> vector<1x1024xf32>
    %sub3A_199 = arith.subf %dot_general3A_198, %select_n3A_173 : vector<1x1024xf32>
    %add3A_200 = arith.constant 5.000000e-01 : f32
    %add3A_201 = vector.broadcast %add3A_200 : f32 to vector<1x1024xf32>
    %add3A_202 = arith.addf %sub3A_199, %add3A_201 : vector<1x1024xf32>
    %max3A_203 = arith.constant 0.000000e+00 : f32
    %max3A_204 = vector.broadcast %max3A_203 : f32 to vector<1x1024xf32>
    %max3A_205 = arith.maximumf %add3A_202, %max3A_204 : vector<1x1024xf32>
    %reduce_sum3A_206 = vector.shape_cast %max3A_205 : vector<1x1024xf32> to vector<1x1x1024xf32>
    %reduce_sum3A_207 = arith.constant dense<0.000000e+00> : vector<1xf32>
    %reduce_sum3A_208 = vector.multi_reduction <add>, %reduce_sum3A_206, %reduce_sum3A_207 [1, 2] : vector<1x1x1024xf32> to vector<1xf32>
    %reduce_sum3A_209 = vector.shape_cast %reduce_sum3A_208 : vector<1xf32> to vector<1x1x1xf32>
    %reduce_sum3A_210 = vector.extract %reduce_sum3A_209[0, 0, 0] : f32 from vector<1x1x1xf32>
    %reduce_sum3A_211 = vector.shape_cast %add3A_171 : vector<1x1024xf32> to vector<1x1x1024xf32>
    %reduce_sum3A_212 = arith.constant dense<0.000000e+00> : vector<1xf32>
    %reduce_sum3A_213 = vector.multi_reduction <add>, %reduce_sum3A_211, %reduce_sum3A_212 [1, 2] : vector<1x1x1024xf32> to vector<1xf32>
    %reduce_sum3A_214 = vector.shape_cast %reduce_sum3A_213 : vector<1xf32> to vector<1x1x1xf32>
    %reduce_sum3A_215 = vector.extract %reduce_sum3A_214[0, 0, 0] : f32 from vector<1x1x1xf32>
    %mul3A_216 = arith.mulf %add3A_171, %add3A_171 : vector<1x1024xf32>
    %reduce_sum3A_217 = vector.shape_cast %mul3A_216 : vector<1x1024xf32> to vector<1x1x1024xf32>
    %reduce_sum3A_218 = arith.constant dense<0.000000e+00> : vector<1xf32>
    %reduce_sum3A_219 = vector.multi_reduction <add>, %reduce_sum3A_217, %reduce_sum3A_218 [1, 2] : vector<1x1x1024xf32> to vector<1xf32>
    %reduce_sum3A_220 = vector.shape_cast %reduce_sum3A_219 : vector<1xf32> to vector<1x1x1xf32>
    %reduce_sum3A_221 = vector.extract %reduce_sum3A_220[0, 0, 0] : f32 from vector<1x1x1xf32>
    %sub3A_222 = arith.subf %reduce_sum3A_122, %reduce_sum3A_215 : f32
    %mul3A_223 = arith.constant 1.024000e+03 : f32
    %mul3A_224 = arith.mulf %mul3A_223, %reduce_sum3A_215 : f32
    %sub3A_225 = arith.subf %sub3A_222, %mul3A_224 : f32
    %sub3A_226 = arith.subf %reduce_sum3A_127, %reduce_sum3A_221 : f32
    %mul3A_227 = arith.constant 1.024000e+03 : f32
    %mul3A_228 = arith.mulf %mul3A_227, %reduce_sum3A_221 : f32
    %add3A_229 = arith.addf %sub3A_226, %mul3A_228 : f32
    %iota3A_230 = tpu.iota {dimensions = array<i32: 1>} : vector<1x128xi32>
    %eq3A_231 = arith.constant 0 : i32
    %eq3A_232 = vector.broadcast %eq3A_231 : i32 to vector<1x128xi32>
    %eq3A_233 = arith.cmpi eq, %iota3A_230, %eq3A_232 : vector<1x128xi32>
    %jit3A_234 = arith.constant 0.000000e+00 : f32
    %broadcast_in_dim3A_235 = vector.broadcast %reduce_sum3A_90 : f32 to vector<1x128xf32>
    %broadcast_in_dim3A_236 = vector.broadcast %jit3A_234 : f32 to vector<1x128xf32>
    %select_n3A_237 = arith.select %eq3A_233, %broadcast_in_dim3A_235, %broadcast_in_dim3A_236 : vector<1x128xi1>, vector<1x128xf32>
    %eq3A_238 = arith.constant 1 : i32
    %eq3A_239 = vector.broadcast %eq3A_238 : i32 to vector<1x128xi32>
    %eq3A_240 = arith.cmpi eq, %iota3A_230, %eq3A_239 : vector<1x128xi32>
    %jit3A_241 = arith.constant 0.000000e+00 : f32
    %broadcast_in_dim3A_242 = vector.broadcast %reduce_sum3A_107 : f32 to vector<1x128xf32>
    %broadcast_in_dim3A_243 = vector.broadcast %jit3A_241 : f32 to vector<1x128xf32>
    %select_n3A_244 = arith.select %eq3A_240, %broadcast_in_dim3A_242, %broadcast_in_dim3A_243 : vector<1x128xi1>, vector<1x128xf32>
    %add3A_245 = arith.addf %select_n3A_237, %select_n3A_244 : vector<1x128xf32>
    %eq3A_246 = arith.constant 2 : i32
    %eq3A_247 = vector.broadcast %eq3A_246 : i32 to vector<1x128xi32>
    %eq3A_248 = arith.cmpi eq, %iota3A_230, %eq3A_247 : vector<1x128xi32>
    %jit3A_249 = arith.constant 0.000000e+00 : f32
    %broadcast_in_dim3A_250 = vector.broadcast %sub3A_225 : f32 to vector<1x128xf32>
    %broadcast_in_dim3A_251 = vector.broadcast %jit3A_249 : f32 to vector<1x128xf32>
    %select_n3A_252 = arith.select %eq3A_248, %broadcast_in_dim3A_250, %broadcast_in_dim3A_251 : vector<1x128xi1>, vector<1x128xf32>
    %add3A_253 = arith.addf %add3A_245, %select_n3A_252 : vector<1x128xf32>
    %eq3A_254 = arith.constant 3 : i32
    %eq3A_255 = vector.broadcast %eq3A_254 : i32 to vector<1x128xi32>
    %eq3A_256 = arith.cmpi eq, %iota3A_230, %eq3A_255 : vector<1x128xi32>
    %jit3A_257 = arith.constant 0.000000e+00 : f32
    %broadcast_in_dim3A_258 = vector.broadcast %add3A_229 : f32 to vector<1x128xf32>
    %broadcast_in_dim3A_259 = vector.broadcast %jit3A_257 : f32 to vector<1x128xf32>
    %select_n3A_260 = arith.select %eq3A_256, %broadcast_in_dim3A_258, %broadcast_in_dim3A_259 : vector<1x128xi1>, vector<1x128xf32>
    %add3A_261 = arith.addf %add3A_253, %select_n3A_260 : vector<1x128xf32>
    %eq3A_262 = arith.constant 4 : i32
    %eq3A_263 = vector.broadcast %eq3A_262 : i32 to vector<1x128xi32>
    %eq3A_264 = arith.cmpi eq, %iota3A_230, %eq3A_263 : vector<1x128xi32>
    %jit3A_265 = arith.constant 0.000000e+00 : f32
    %broadcast_in_dim3A_266 = vector.broadcast %reduce_sum3A_80 : f32 to vector<1x128xf32>
    %broadcast_in_dim3A_267 = vector.broadcast %jit3A_265 : f32 to vector<1x128xf32>
    %select_n3A_268 = arith.select %eq3A_264, %broadcast_in_dim3A_266, %broadcast_in_dim3A_267 : vector<1x128xi1>, vector<1x128xf32>
    %add3A_269 = arith.addf %add3A_261, %select_n3A_268 : vector<1x128xf32>
    %eq3A_270 = arith.constant 5 : i32
    %eq3A_271 = vector.broadcast %eq3A_270 : i32 to vector<1x128xi32>
    %eq3A_272 = arith.cmpi eq, %iota3A_230, %eq3A_271 : vector<1x128xi32>
    %jit3A_273 = arith.constant 0.000000e+00 : f32
    %broadcast_in_dim3A_274 = vector.broadcast %reduce_sum3A_210 : f32 to vector<1x128xf32>
    %broadcast_in_dim3A_275 = vector.broadcast %jit3A_273 : f32 to vector<1x128xf32>
    %select_n3A_276 = arith.select %eq3A_272, %broadcast_in_dim3A_274, %broadcast_in_dim3A_275 : vector<1x128xi1>, vector<1x128xf32>
    %add3A_277 = arith.addf %add3A_269, %select_n3A_276 : vector<1x128xf32>
    %swap3A = arith.constant 0 : index
    %swap3A_278 = arith.constant 0 : index
    %swap3A_279 = arith.constant 0 : index
    %swap3A_280 = vector.load %arg4[%swap3A, %swap3A_278, %swap3A_279] : memref<1x1x128xf32, #tpu.memory_space<vmem>>, vector<1x1x128xf32>
    %swap3A_281 = vector.shape_cast %swap3A_280 : vector<1x1x128xf32> to vector<1x128xf32>
    %swap3A_282 = vector.shape_cast %add3A_277 : vector<1x128xf32> to vector<1x1x128xf32>
    tpu.vector_store %arg4[%swap3A, %swap3A_278, %swap3A_279], %swap3A_282 {strides = array<i32>} : memref<1x1x128xf32, #tpu.memory_space<vmem>>, vector<1x1x128xf32>,
    %swap3A_283 = arith.constant 0 : index
    %swap3A_284 = arith.constant 0 : index
    %swap3A_285 = arith.constant 0 : index
    %swap3A_286 = vector.load %arg5[%swap3A_283, %swap3A_284, %swap3A_285] : memref<1x1x1024xf32, #tpu.memory_space<vmem>>, vector<1x1x1024xf32>
    %swap3A_287 = vector.shape_cast %swap3A_286 : vector<1x1x1024xf32> to vector<1x1024xf32>
    %swap3A_288 = vector.shape_cast %dot_general3A_198 : vector<1x1024xf32> to vector<1x1x1024xf32>
    tpu.vector_store %arg5[%swap3A_283, %swap3A_284, %swap3A_285], %swap3A_288 {strides = array<i32>} : memref<1x1x1024xf32, #tpu.memory_space<vmem>>, vector<1x1x1024xf32>,
    return
  }
  func.func @transform_0(%arg0: i32) -> (i32, i32, i32) {
    %c0_i32 = arith.constant 0 : i32
    %c0_i32_0 = arith.constant 0 : i32
    %c0_i32_1 = arith.constant 0 : i32
    return %arg0, %c0_i32, %c0_i32_0 : i32, i32, i32
  }
  func.func @transform_1(%arg0: i32) -> (i32, i32, i32) {
    %c0_i32 = arith.constant 0 : i32
    %c0_i32_0 = arith.constant 0 : i32
    %c0_i32_1 = arith.constant 0 : i32
    return %arg0, %c0_i32, %c0_i32_0 : i32, i32, i32
  }
  func.func @transform_2(%arg0: i32) -> (i32, i32, i32) {
    %c0_i32 = arith.constant 0 : i32
    %c0_i32_0 = arith.constant 0 : i32
    %c0_i32_1 = arith.constant 0 : i32
    return %arg0, %c0_i32, %c0_i32_0 : i32, i32, i32
  }
  func.func @transform_3(%arg0: i32) -> (i32, i32, i32) {
    %c0_i32 = arith.constant 0 : i32
    %c0_i32_0 = arith.constant 0 : i32
    %c0_i32_1 = arith.constant 0 : i32
    return %arg0, %c0_i32, %c0_i32_0 : i32, i32, i32
  }
  func.func @transform_4(%arg0: i32) -> (i32, i32, i32) {
    %c0_i32 = arith.constant 0 : i32
    %c0_i32_0 = arith.constant 0 : i32
    %c0_i32_1 = arith.constant 0 : i32
    return %arg0, %c0_i32, %c0_i32_0 : i32, i32, i32
  }
}

module attributes {stable_mosaic.version = 14 : i64} {
  func.func @_final_body(%arg0: memref<16x1x128xf32, #tpu.memory_space<vmem>>, %arg1: memref<16x1x1024xf32, #tpu.memory_space<vmem>>, %arg2: memref<16x2x2048xf32, #tpu.memory_space<vmem>>, %arg3: memref<1x1xf32, #tpu.memory_space<vmem>>) attributes {dimension_semantics = [], scalar_prefetch = 0 : i64, scratch_operands = 0 : i64, tpu.core_type = #tpu.core_type<tc>} {
    %get3A = arith.constant 0 : index
    %get3A_0 = arith.constant 0 : index
    %get3A_1 = arith.constant 0 : index
    %get3A_2 = vector.load %arg2[%get3A, %get3A_0, %get3A_1] : memref<16x2x2048xf32, #tpu.memory_space<vmem>>, vector<16x2x2048xf32>
    %slice3A = vector.extract_strided_slice %get3A_2 {offsets = [0, 0, 0], sizes = [16, 1, 2048], strides = [1, 1, 1]} : vector<16x2x2048xf32> to vector<16x1x2048xf32>
    %squeeze3A = vector.shape_cast %slice3A : vector<16x1x2048xf32> to vector<16x2048xf32>
    %slice3A_3 = vector.extract_strided_slice %get3A_2 {offsets = [0, 1, 0], sizes = [16, 1, 2048], strides = [1, 1, 1]} : vector<16x2x2048xf32> to vector<16x1x2048xf32>
    %squeeze3A_4 = vector.shape_cast %slice3A_3 : vector<16x1x2048xf32> to vector<16x2048xf32>
    %add3A = arith.addf %squeeze3A, %squeeze3A_4 : vector<16x2048xf32>
    %slice3A_5 = vector.extract_strided_slice %add3A {offsets = [0, 0], sizes = [16, 1024], strides = [1, 1]} : vector<16x2048xf32> to vector<16x1024xf32>
    %slice3A_6 = vector.extract_strided_slice %add3A {offsets = [0, 1024], sizes = [16, 1024], strides = [1, 1]} : vector<16x2048xf32> to vector<16x1024xf32>
    %add3A_7 = arith.addf %slice3A_5, %slice3A_6 : vector<16x1024xf32>
    %get3A_8 = arith.constant 0 : index
    %get3A_9 = arith.constant 0 : index
    %get3A_10 = arith.constant 0 : index
    %get3A_11 = vector.load %arg1[%get3A_8, %get3A_9, %get3A_10] : memref<16x1x1024xf32, #tpu.memory_space<vmem>>, vector<16x1x1024xf32>
    %get3A_12 = vector.shape_cast %get3A_11 : vector<16x1x1024xf32> to vector<16x1024xf32>
    %mul3A = arith.mulf %get3A_12, %add3A_7 : vector<16x1024xf32>
    %reduce_sum3A = vector.shape_cast %mul3A : vector<16x1024xf32> to vector<1x16x1024xf32>
    %reduce_sum3A_13 = arith.constant dense<0.000000e+00> : vector<1xf32>
    %reduce_sum3A_14 = vector.multi_reduction <add>, %reduce_sum3A, %reduce_sum3A_13 [1, 2] : vector<1x16x1024xf32> to vector<1xf32>
    %reduce_sum3A_15 = vector.shape_cast %reduce_sum3A_14 : vector<1xf32> to vector<1x1x1xf32>
    %reduce_sum3A_16 = vector.extract %reduce_sum3A_15[0, 0, 0] : f32 from vector<1x1x1xf32>
    %get3A_17 = arith.constant 0 : index
    %get3A_18 = arith.constant 0 : index
    %get3A_19 = arith.constant 0 : index
    %get3A_20 = vector.load %arg0[%get3A_17, %get3A_18, %get3A_19] : memref<16x1x128xf32, #tpu.memory_space<vmem>>, vector<16x1x128xf32>
    %get3A_21 = vector.shape_cast %get3A_20 : vector<16x1x128xf32> to vector<16x128xf32>
    %slice3A_22 = vector.extract_strided_slice %get3A_21 {offsets = [0, 0], sizes = [16, 1], strides = [1, 1]} : vector<16x128xf32> to vector<16x1xf32>
    %reduce_sum3A_23 = vector.shape_cast %slice3A_22 : vector<16x1xf32> to vector<1x16x1xf32>
    %reduce_sum3A_24 = arith.constant dense<0.000000e+00> : vector<1xf32>
    %reduce_sum3A_25 = vector.multi_reduction <add>, %reduce_sum3A_23, %reduce_sum3A_24 [1, 2] : vector<1x16x1xf32> to vector<1xf32>
    %reduce_sum3A_26 = vector.shape_cast %reduce_sum3A_25 : vector<1xf32> to vector<1x1x1xf32>
    %reduce_sum3A_27 = vector.extract %reduce_sum3A_26[0, 0, 0] : f32 from vector<1x1x1xf32>
    %slice3A_28 = vector.extract_strided_slice %get3A_21 {offsets = [0, 1], sizes = [16, 1], strides = [1, 1]} : vector<16x128xf32> to vector<16x1xf32>
    %reduce_sum3A_29 = vector.shape_cast %slice3A_28 : vector<16x1xf32> to vector<1x16x1xf32>
    %reduce_sum3A_30 = arith.constant dense<0.000000e+00> : vector<1xf32>
    %reduce_sum3A_31 = vector.multi_reduction <add>, %reduce_sum3A_29, %reduce_sum3A_30 [1, 2] : vector<1x16x1xf32> to vector<1xf32>
    %reduce_sum3A_32 = vector.shape_cast %reduce_sum3A_31 : vector<1xf32> to vector<1x1x1xf32>
    %reduce_sum3A_33 = vector.extract %reduce_sum3A_32[0, 0, 0] : f32 from vector<1x1x1xf32>
    %slice3A_34 = vector.extract_strided_slice %get3A_21 {offsets = [0, 2], sizes = [16, 1], strides = [1, 1]} : vector<16x128xf32> to vector<16x1xf32>
    %reduce_sum3A_35 = vector.shape_cast %slice3A_34 : vector<16x1xf32> to vector<1x16x1xf32>
    %reduce_sum3A_36 = arith.constant dense<0.000000e+00> : vector<1xf32>
    %reduce_sum3A_37 = vector.multi_reduction <add>, %reduce_sum3A_35, %reduce_sum3A_36 [1, 2] : vector<1x16x1xf32> to vector<1xf32>
    %reduce_sum3A_38 = vector.shape_cast %reduce_sum3A_37 : vector<1xf32> to vector<1x1x1xf32>
    %reduce_sum3A_39 = vector.extract %reduce_sum3A_38[0, 0, 0] : f32 from vector<1x1x1xf32>
    %slice3A_40 = vector.extract_strided_slice %get3A_21 {offsets = [0, 3], sizes = [16, 1], strides = [1, 1]} : vector<16x128xf32> to vector<16x1xf32>
    %reduce_sum3A_41 = vector.shape_cast %slice3A_40 : vector<16x1xf32> to vector<1x16x1xf32>
    %reduce_sum3A_42 = arith.constant dense<0.000000e+00> : vector<1xf32>
    %reduce_sum3A_43 = vector.multi_reduction <add>, %reduce_sum3A_41, %reduce_sum3A_42 [1, 2] : vector<1x16x1xf32> to vector<1xf32>
    %reduce_sum3A_44 = vector.shape_cast %reduce_sum3A_43 : vector<1xf32> to vector<1x1x1xf32>
    %reduce_sum3A_45 = vector.extract %reduce_sum3A_44[0, 0, 0] : f32 from vector<1x1x1xf32>
    %mul3A_46 = arith.constant 2.000000e+00 : f32
    %mul3A_47 = arith.mulf %mul3A_46, %reduce_sum3A_16 : f32
    %sub3A = arith.subf %reduce_sum3A_45, %mul3A_47 : f32
    %slice3A_48 = vector.extract_strided_slice %get3A_21 {offsets = [0, 4], sizes = [16, 1], strides = [1, 1]} : vector<16x128xf32> to vector<16x1xf32>
    %reduce_sum3A_49 = vector.shape_cast %slice3A_48 : vector<16x1xf32> to vector<1x16x1xf32>
    %reduce_sum3A_50 = arith.constant dense<0.000000e+00> : vector<1xf32>
    %reduce_sum3A_51 = vector.multi_reduction <add>, %reduce_sum3A_49, %reduce_sum3A_50 [1, 2] : vector<1x16x1xf32> to vector<1xf32>
    %reduce_sum3A_52 = vector.shape_cast %reduce_sum3A_51 : vector<1xf32> to vector<1x1x1xf32>
    %reduce_sum3A_53 = vector.extract %reduce_sum3A_52[0, 0, 0] : f32 from vector<1x1x1xf32>
    %slice3A_54 = vector.extract_strided_slice %get3A_21 {offsets = [0, 5], sizes = [16, 1], strides = [1, 1]} : vector<16x128xf32> to vector<16x1xf32>
    %reduce_sum3A_55 = vector.shape_cast %slice3A_54 : vector<16x1xf32> to vector<1x16x1xf32>
    %reduce_sum3A_56 = arith.constant dense<0.000000e+00> : vector<1xf32>
    %reduce_sum3A_57 = vector.multi_reduction <add>, %reduce_sum3A_55, %reduce_sum3A_56 [1, 2] : vector<1x16x1xf32> to vector<1xf32>
    %reduce_sum3A_58 = vector.shape_cast %reduce_sum3A_57 : vector<1xf32> to vector<1x1x1xf32>
    %reduce_sum3A_59 = vector.extract %reduce_sum3A_58[0, 0, 0] : f32 from vector<1x1x1xf32>
    %add3A_60 = arith.addf %reduce_sum3A_53, %reduce_sum3A_59 : f32
    %add3A_61 = arith.addf %reduce_sum3A_27, %reduce_sum3A_39 : f32
    %div3A = arith.constant 0x4C000000 : f32
    %div3A_62 = arith.divf %add3A_61, %div3A : f32
    %add3A_63 = arith.addf %reduce_sum3A_33, %sub3A : f32
    %mul3A_64 = arith.constant 0x4C000000 : f32
    %mul3A_65 = arith.mulf %mul3A_64, %div3A_62 : f32
    %mul3A_66 = arith.mulf %mul3A_65, %div3A_62 : f32
    %sub3A_67 = arith.subf %add3A_63, %mul3A_66 : f32
    %sub3A_68 = arith.constant 0x4C000000 : f32
    %sub3A_69 = arith.constant 1.000000e+00 : f32
    %sub3A_70 = arith.subf %sub3A_68, %sub3A_69 : f32
    %div3A_71 = arith.divf %sub3A_67, %sub3A_70 : f32
    %div3A_72 = arith.constant 3.276800e+04 : f32
    %div3A_73 = arith.divf %add3A_60, %div3A_72 : f32
    %exp3A = math.exp %div3A_62 : f32
    %add3A_74 = arith.addf %div3A_73, %exp3A : f32
    %add3A_75 = arith.constant 1.000000e+00 : f32
    %add3A_76 = arith.addf %div3A_71, %add3A_75 : f32
    %log3A = math.log %add3A_76 : f32
    %add3A_77 = arith.addf %add3A_74, %log3A : f32
    %reshape3A = vector.broadcast %add3A_77 : f32 to vector<1x1xf32>
    %swap3A = arith.constant 0 : index
    %swap3A_78 = arith.constant 0 : index
    %swap3A_79 = vector.load %arg3[%swap3A, %swap3A_78] : memref<1x1xf32, #tpu.memory_space<vmem>>, vector<1x1xf32>
    tpu.vector_store %arg3[%swap3A, %swap3A_78], %reshape3A {strides = array<i32>} : memref<1x1xf32, #tpu.memory_space<vmem>>, vector<1x1xf32>,
    return
  }
}

</mosaic_0001>

<sc_bundles>
// kernel: kernel.6.cloned.1.call-start
scs
__scs_entry_jumppad:
0x0: {  	(pc) =	sbr.rel $0x88, $3  }
0x1: {  	(tag) =	ssettag $0x0;
	lr =	simm.s32 $0x1  }
0x2: {  	[smem:$0x3F9E] =	sst lr;
	_ =	strace $0xD0000000  }
0x3: {  	_ = 	snop  }
0x4: {  	_ = 	snop  }
0x5: {  	_ = 	snop  }
0x6: {  	_ = 	snop  }
0x7: {  	_ = 	snop  }
__scs_overlays_trampoline_lowered:
0x8: {  	[smem:$0x3FAD] =	sst s0  }
0x9: {  	[smem:$0x3FAE] =	sst s1  }
0xa: {  	[smem:$0x3FAF] =	sst s2  }
0xb: {  	[smem:$0x3FB0] =	sst s3  }
0xc: {  	[smem:$0x3FB1] =	sst s4  }
0xd: {  	[smem:$0x3FB2] =	sst s5  }
0xe: {  	[smem:$0x3FB3] =	sst s6  }
0xf: {  	[smem:$0x3FB4] =	sst s7  }
0x10: {  	[smem:$0x3FB5] =	sst s8  }
0x11: {  	[smem:$0x3FB6] =	sst s9;
	s0 =	simm.s32 @!p0 $0x0  }
0x12: {  	s1 =	sld [smem:$0x3F9C];
	s0 =	simm.s32 @p0 $0x1  }
0x13: {  	[smem:$0x3FB7] =	sst s0;
	s0 =	simm.s32 @!p1 $0x0  }
0x14: {  	s2 =	sld [smem:$0x3F9B];
	s0 =	simm.s32 @p1 $0x1  }
0x15: {  	[smem:$0x3FB8] =	sst s0;
	s0 =	simm.s32 @!p2 $0x0  }
0x16: {  	s3 =	sld [smem:$0x3FDB];
	s0 =	simm.s32 @p2 $0x1  }
0x17: {  	s4 =	simm.s32 $0x1BF5;
	[smem:$0x3FBA] =	sst s0  }
0x18: {  	s0 =	sld [smem:$0x3F9D];
	_ =	swait.ge [sflag:s4], $0x0  }
0x19: {  	s7 =	sld [smem:$0x3F9E]  }
0x1a: {  	s8 =	sadd.s32 $0xFFFFE003, lr  }
0x1b: {  	s9 =	sadd.s32 $0xFFFFFEF7, lr;
	s5 =	simm.s32 $0xFFFFFFFF;
	p2 =	slt.u32 s8, $0xFFFFF086  }
0x1c: {  	p1 =	slt.u32 s9, $0xF7A;
	s5 =	simm.s32 @!p2 $0x0  }
0x1d: {  	s5 =	simm.s32 @p1 $0x1;
	p0 =	seq.s32 s7, s2  }
0x1e: {  	s7 =	smul.u32 @!p0 $0xF7A, s2;
	p2 =	seq.s32 @!p0 s5, $0x0  }
0x1f: {  	s9 =	smul.u32 $0xF7A, s1;
	s8 =	simm.s32 @!p0 $0x1BF5;
	p2 =	por !p2, p0  }
0x20: {  	[sflag:s8] =	ssyncset.s32 @!p0 $0xFFFFF086;
	s6 =	sadd.s32 @!p0 s3, s7;
	s7 =	simm.s32 @!p0 $0x108  }
0x21: {  	s3 =	sadd.s32 s3, s9;
	s6 =	sadd.s32 @!p0 $0x88, s6;
	s7 =	simm.s32 @p2 $0x1082  }
0x22: {  	[simem:s7], [sflag:s8] =	dma.local @!p0 [hbm:s6], $0xF7A  }
0x23: {  	s9 =	sor.u32 $0xD0000000, s2;
	s6 =	simm.s32 $0x108;
	_ =	swait.ge @!p0 [sflag:s8], $0x0  }
0x24: {  	s3 =	sadd.s32 $0x88, s3;
	s6 =	simm.s32 @!p1 $0x1082;
	[sflag:s4] =	ssyncset.s32 $0xFFFFF086  }
0x25: {  	[simem:s6], [sflag:s4] =	dma.local [hbm:s3], $0xF7A  }
0x26: {  	[smem:$0x3F9E] =	sst s1;
	(tag) =	ssettag s2;
	_ =	strace s9  }
0x27: {  	s1 =	sld [smem:$0x3FAE]  }
0x28: {  	s2 =	sld [smem:$0x3FAF]  }
0x29: {  	s4 =	sld [smem:$0x3FB1]  }
0x2a: {  	p0 =	seq.s32 s5, $0x0;
	s5 =	sld [smem:$0x3FB2]  }
0x2b: {  	s6 =	sld [smem:$0x3FB3]  }
0x2c: {  	s7 =	sld [smem:$0x3FB4]  }
0x2d: {  	s3 =	simm.s32 $0x108;
	s8 =	sld [smem:$0x3FB5]  }
0x2e: {  	s3 =	simm.s32 @!p0 $0x1082;
	s9 =	sld [smem:$0x3FB6]  }
0x2f: {  	lr =	sadd.s32 s0, s3;
	s0 =	sld [smem:$0x3FAD]  }
0x30: {  	s3 =	sld [smem:$0x3FB0]  }
0x31: {  	[smem:$0x3FB9] =	sst s10  }
0x32: {  	s10 =	sld [smem:$0x3FB7];
	_ =	sdelay $0x3  }
0x33: {  	p0 =	seq.s32 s10, $0x1;
	s10 =	sld [smem:$0x3FB9];
	_ =	sdelay $0x3  }
0x34: {  	[smem:$0x3FB9] =	sst s10  }
0x35: {  	s10 =	sld [smem:$0x3FB8];
	_ =	sdelay $0x3  }
0x36: {  	p1 =	seq.s32 s10, $0x1;
	s10 =	sld [smem:$0x3FB9];
	_ =	sdelay $0x3  }
0x37: {  	[smem:$0x3FB9] =	sst s10  }
0x38: {  	s10 =	sld [smem:$0x3FBA]  }
0x39: {  	_ = 	snop;
	(pc) =	sbr.ind lr, $3  }
0x3a: {  	_ = 	snop  }
0x3b: {  	_ = 	snop  }
0x3c: {  	p2 =	seq.s32 s10, $0x1;
	s10 =	sld [smem:$0x3FB9]  }
0x3d: {  	_ =	shalt  }
0x3e: {  	_ =	shalt  }
0x3f: {  	_ =	shalt  }
0x40: {  	_ =	shalt  }
0x41: {  	_ =	shalt  }
0x42: {  	_ =	shalt  }
0x43: {  	_ =	shalt  }
0x44: {  	_ =	shalt  }
0x45: {  	_ =	shalt  }
0x46: {  	_ =	shalt  }
0x47: {  	_ =	shalt  }
0x48: {  	_ =	shalt  }
0x49: {  	_ =	shalt  }
0x4a: {  	_ =	shalt  }
0x4b: {  	_ =	shalt  }
0x4c: {  	_ =	shalt  }
0x4d: {  	_ =	shalt  }
0x4e: {  	_ =	shalt  }
0x4f: {  	_ =	shalt  }
0x50: {  	_ =	shalt  }
0x51: {  	_ =	shalt  }
0x52: {  	_ =	shalt  }
0x53: {  	_ =	shalt  }
0x54: {  	_ =	shalt  }
0x55: {  	_ =	shalt  }
0x56: {  	_ =	shalt  }
0x57: {  	_ =	shalt  }
0x58: {  	_ =	shalt  }
0x59: {  	_ =	shalt  }
0x5a: {  	_ =	shalt  }
0x5b: {  	_ =	shalt  }
0x5c: {  	_ =	shalt  }
0x5d: {  	_ =	shalt  }
0x5e: {  	_ =	shalt  }
0x5f: {  	_ =	shalt  }
0x60: {  	_ =	shalt  }
0x61: {  	_ =	shalt  }
0x62: {  	_ =	shalt  }
0x63: {  	_ =	shalt  }
0x64: {  	_ =	shalt  }
0x65: {  	_ =	shalt  }
0x66: {  	_ =	shalt  }
0x67: {  	_ =	shalt  }
0x68: {  	_ =	shalt  }
0x69: {  	_ =	shalt  }
0x6a: {  	_ =	shalt  }
0x6b: {  	_ =	shalt  }
0x6c: {  	_ =	shalt  }
0x6d: {  	_ =	shalt  }
0x6e: {  	_ =	shalt  }
0x6f: {  	_ =	shalt  }
0x70: {  	_ =	shalt  }
0x71: {  	_ =	shalt  }
0x72: {  	_ =	shalt  }
0x73: {  	_ =	shalt  }
0x74: {  	_ =	shalt  }
0x75: {  	_ =	shalt  }
0x76: {  	_ =	shalt  }
0x77: {  	_ =	shalt  }
0x78: {  	_ =	shalt  }
0x79: {  	_ =	shalt  }
0x7a: {  	_ =	shalt  }
0x7b: {  	_ =	shalt  }
0x7c: {  	_ =	shalt  }
0x7d: {  	_ =	shalt  }
0x7e: {  	_ =	shalt  }
0x7f: {  	_ =	shalt  }
0x80: {  	_ =	shalt  }
0x81: {  	_ =	shalt  }
0x82: {  	_ =	shalt  }
0x83: {  	_ =	shalt  }
0x84: {  	_ =	shalt  }
0x85: {  	_ =	shalt  }
0x86: {  	_ =	shalt  }
0x87: {  	_ =	shalt  }
.Lfunc_end0:
.L_simem_size_0:
called_computation_lowered:
.L_overlay_start_0:
0x88: {  	s2 =	sld [smem:$0x3FD9]  }
0x89: {  	s3 =	sld [smem:$0x3FFE];
	_ =	sdelay $0x1  }
0x8a: {  	s1 =	srdreg.scid  }
0x8b: {  	s0 =	sand.u32 $0x1, s1  }
0x8c: {  	s16 =	sshll.u32 s0, $0xA;
	s2 =	sadd.s32 s3, s2  }
0x8d: {  	s2 =	sadd.s32 s2, s16  }
0x8e: {  	[smem:$0x3FC5] =	sst s2  }
0x8f: {  	_ = 	snop  }
0x90: {  	(tm) =	ssettm $0x1  }
0x91: {  	s17 =	sld [smem:$0x3FFB];
	_ =	sdelay $0x3  }
0x92: {  	_ =	strace s17  }
0x93: {  	s2 =	sld [smem:$0x3FFC];
	_ =	sdelay $0x3  }
0x94: {  	_ =	strace s2  }
0x95: {  	s2 =	sld [smem:$0x3FFD];
	_ =	sdelay $0x3  }
0x96: {  	_ =	strace s2  }
0x97: {  	_ =	strace $0x8FFFFFFF  }
0x98: {  	s18 =	sld [smem:$0x3FDB];
	_ =	sdelay $0x1  }
0x99: {  	s19 =	simm.s32 $_scs_section_size  }
0x9a: {  	s4 =	simm.s32 $_size__tile_overlayer_lowered;
	s5 =	simm.s32 $_tile_overlayer_lowered  }
0x9b: {  	s22 =	simm.s32 $0x1BFF;
	s21 =	sshll.u32 s5, $0x1;
	s2 =	sadd.s32 s19, s18  }
0x9c: {  	s6 =	simm.s32 $0x0;
	s20 =	sshll.u32 s4, $0x1;
	s4 =	sadd.s32 s21, s2  }
0x9d: {  	[timem:s6], [sflag:s22] =	dma.local [hbm:s4], s20  }
0x9e: {  	_ =	swait.ge [sflag:s22], s20  }
0x9f: {  	s3 =	ssub.s32 $0x0, s20;
	[sflag:s22] =	ssyncset.done $0x0  }
0xa0: {  	[sflag:s22] =	ssyncadd.s32 s3;
	_ =	sdelay $0x1  }
0xa1: {  	s23 =	simm.s32 $0x1B8B  }
0xa2: {  	_ =	swait.ge [sflag:s23], $0x1  }
0xa3: {  	[sflag:s23] =	ssyncset.done $0x0  }
0xa4: {  	s25 =	simm.s32 $0x1B8E;
	s24 =	sld [smem:$0x3FFE];
	[sflag:s23] =	ssyncadd.s32 $0xFFFFFFFF  }
0xa5: {  	s26 =	simm.s32 $execute0_lowered;
	[smem:$0x3FD2] =	sst s25  }
0xa6: {  	s4 =	sshll.u32 s26, $0x1;
	_ =	strace $0x80000046;
	[dreg:$0x1] =	wrdreg $0xFFFFFFFF  }
0xa7: {  	s28 =	simm.s32 $_size_execute0_lowered;
	s2 =	sadd.s32 s2, s4;
	[dreg:$0x0] =	wrdreg $0x0  }
0xa8: {  	s4 =	sshll.u32 s28, $0x1;
	[dreg:$0x2] =	wrdreg s2  }
0xa9: {  	[dreg:$0x3] =	wrdreg s4  }
0xaa: {  	[dreg:$0x4] =	wrdreg $0xC0  }
0xab: {  	_ =	task [dreg:s6], $0x5FFFF  }
0xac: {  	[dreg:$0x1] =	wrdreg $0xFFFFFFFF  }
0xad: {  	[dreg:$0x0] =	wrdreg $0x60  }
0xae: {  	[dreg:$0x2] =	wrdreg s24  }
0xaf: {  	[dreg:$0x3] =	wrdreg $0x9  }
0xb0: {  	_ =	task.clear_ibuf [dreg:s6], $0x4FFFF;
	_ =	strace $0x90000046  }
0xb1: {  	s29 =	simm.s32 $0x9;
	_ =	strace $0x80000048  }
0xb2: {  	_ =	swait.ge [sflag:s29], $0x1  }
0xb3: {  	[sflag:s29] =	ssyncadd.s32 $0xFFFFFFFF  }
0xb4: {  	_ =	strace $0x90000048  }
0xb5: {  	_ =	sfence  }
0xb6: {  	s30 =	sld [smem:$0x0];
	_ =	sdelay $0x2  }
0xb7: {  	s31 =	sshll.u32 s1, $0xD;
	s1 =	sshrl.u32 s1, $0x2  }
0xb8: {  	s3 =	sand.u32 $0x4000, s31;
	s1 =	sadd.s32 s1, s30  }
0xb9: {  	s0 =	sor.u32 s3, s0;
	s1 =	sshll.u32 s1, $0x11  }
0xba: {  	s0 =	sor.u32 s1, s0  }
0xbb: {  	s0 =	sadd.s32 $0x8F2B, s0  }
0xbc: {  	[sflag:s0] =	ssyncadd.remote.s32 $0x1  }
0xbd: {  	_ =	sfence.sel $0xFFFF  }
0xbe: {  	[dreg:$0x0] =	wrdreg $0xFFFFFFFF;
	(pc) =	sbr.abs _section_cstart, $3  }
0xbf: {  	[dreg:$0x1] =	wrdreg $0xFFFFFFFF  }
0xc0: {  	_ =	task.clear_ibuf [dreg:s6], $0x2FFFF;
	_ =	strace $0x9FFFFFFF  }
0xc1: {  	(tm) =	ssettm $0x7FFFFFFF  }
tec
execute0_lowered:
.L_overlay_start_1:
0x0: {  	(tag) =	ssettag $0x1  }
0x1: {  	s0 =	srdreg.scid  }
0x2: {  	s0 =	sand.u32 $0x1, s0  }
0x3: {  	s2 =	stileid.u32;
	s1 =	sshll.u32 s0, $0x4  }
0x4: {  	s8 =	rddreg [dreg:$0x0];
	s17 =	sand.u32 $0x1, s2;
	s1 =	sor.u32 s2, s1  }
0x5: {  	s3 =	simm.s32 $0x1;
	p1 =	seq.s32 s17, $0x1;
	p0 =	seq.s32 s1, $0x0  }
0x6: {  	s14 =	simm.s32 $0x4400;
	s15 =	simm.s32 $0x2400;
	p0 =	por !p0, !p1  }
0x7: {  	s16 =	simm.s32 $0x4800;
	s18 =	simm.s32 $0x400;
	p0 =	por !p0, !p0  }
0x8: {  	s7 =	sadd.s32 $0x1000, s8;
	s4 =	sshrl.u32 s1, $0x1;
	s3 =	simm.s32 @!p0 $0x0  }
0x9: {  	s0 =	ssub.s32 $0x2, s0;
	s2 =	simm.s32 $0x0;
	s6 =	ssub.s32 s4, s3  }
0xa: {  	s10 =	sshrl.u32 s0, $0x1;
	[smem:$0x7FF] =	sst s2;
	s5 =	sshll.u32 s6, $0x7  }
0xb: {  	s1 =	sshll.u32 s1, $0xB;
	s0 =	ssub.s32 s0, s10;
	s5 =	sand.u32 $0x1FFFFF80, s5  }
0xc: {  	_ =	strace $0x80000047;
	s9 =	sadd.s32 s5, s8;
	s5 =	smul.u32 $0x122400, s6  }
0xd: {  	s1 =	sadd.s32 s1, s8;
	s13 =	smax.u32 s0, $0x1;
	s6 =	smul.u32 $0x102000, s6  }
.Ltmp0:
0xe: {  	s0 =	simm.s32 $0x4000;
	s12 =	sadd.s32 $0x449800, s1;
	(pc) =	sbr.rel .LBB2_1-.Ltmp0, $4  }
0xf: {  	p0 =	seq.s32 s17, $0x0;
	s3 =	sadd.s32 $0x205000, s8;
	s4 =	simm.s32 $0x1  }
0x10: {  	s8 =	sshll.u32 s17, $0x9;
	s31 =	sadd.s32 $0x120000, s5;
	s11 =	sadd.s32 $0x100000, s6  }
0x11: {  	s17 =	simm.s32 $0x80;
	s10 =	sshrl.u32 s31, $0x3;
	s11 =	sshrl.u32 s11, $0x3  }
0x12: {  	v0 =	vimm.f32 $0.0e+00;
	v1 =	vlaneseq.u32;
	s9 =	sadd.s32 $0x800, s9;
	s10 =	sadd.s32 s3, s10;
	s11 =	sadd.s32 s7, s11  }
.LBB2_12:
0x13: {  	s2 =	sadd.s32 $0x1, s2  }
0x14: {  	p1 =	sne.s32 s2, s13  }
.Ltmp1:
0x15: {  	_ = 	snop;
	(pc) =	sbr.rel @!p1 .LBB2_13-.Ltmp1, $4  }
0x16: {  	[hbm4b:s12+s17] =	stream.strided.scatter [tilespmem:s16], [sflag:$0x1], $0x800, s18, s17, $0x38;
	[tilespmem:$0x5000] =	vst v63  }
0x17: {  	_ =	swait.ge [sflag:s4], $0x800  }
0x18: {  	[sflag:s4] =	ssyncset.done $0x0  }
0x19: {  	[sflag:s4] =	ssyncadd.s32 $0xFFFFF800  }
.LBB2_1:
0x1a: {  	s19 =	simm.s32 $0x40;
	s20 =	simm.s32 $0x0  }
.LBB2_2:
0x1b: {  	p1 =	sne.s32 s19, $0x1FC0;
	[tilespmem:s20+$0x4800] =	vst v0;
	s20 =	smov.u32 s19;
	s19 =	sadd.s32 $0x40, s19  }
.Ltmp2:
0x1c: {  	(pc) =	sbr.rel @p1 .LBB2_2-.Ltmp2, $2  }
0x1d: {  	_ =	sdelay $0x2  }
0x1e: {  	s20 =	sshra.s32 s20, $0x2  }
0x1f: {  	[tilespmem:s20+$0x4800] =	vst v0;
	s19 =	simm.s32 $0x0  }
0x20: {  	[tilespmem:s14], [sflag:$0x1] =	stream.linear.gather [hbm4b:s9+s19], $0x400, $0x38;
	[tilespmem:$0x5000] =	vst v63  }
0x21: {  	_ =	swait.ge [sflag:s4], $0x400  }
0x22: {  	[sflag:s4] =	ssyncset.done $0x0  }
0x23: {  	s20 =	simm.s32 $0x0;
	[sflag:s4] =	ssyncadd.s32 $0xFFFFFC00  }
.LBB2_4:
0x24: {  	s21 =	sshll.u32 s20, $0x3  }
0x25: {  	s21 =	sadd.s32 s8, s21  }
0x26: {  	s22 =	sshrl.u32 s21, $0x3  }
0x27: {  	s22 =	smul.u32 $0x2400, s22;
	_ =	sdelay $0x1  }
0x28: {  	s22 =	sadd.s32 s5, s22  }
0x29: {  	s22 =	sshrl.u32 s22, $0x3  }
0x2a: {  	s31 =	sshll.u32 s21, $0xA;
	s22 =	sadd.s32 s3, s22  }
0x2b: {  	[tilespmem:s19], [sflag:$0x1] =	stream.linear.gather [hbm4b:s22+s19], $0x2400, $0x38;
	[tilespmem:$0x5000] =	vst v63  }
0x2c: {  	s22 =	sadd.s32 s6, s31;
	_ =	swait.ge [sflag:s4], $0x2400  }
0x2d: {  	s22 =	sshrl.u32 s22, $0x3;
	[sflag:s4] =	ssyncset.done $0x0  }
0x2e: {  	s22 =	sadd.s32 s7, s22;
	[sflag:s4] =	ssyncadd.s32 $0xFFFFDC00  }
0x2f: {  	[tilespmem:s15], [sflag:$0x1] =	stream.linear.gather [hbm4b:s22+s19], $0x2000, $0x38;
	[tilespmem:$0x5000] =	vst v63  }
0x30: {  	_ =	swait.ge [sflag:s4], $0x2000  }
0x31: {  	[sflag:s4] =	ssyncset.done $0x0  }
0x32: {  	s22 =	simm.s32 $0x0;
	[sflag:s4] =	ssyncadd.s32 $0xFFFFE000  }
.LBB2_5:
0x33: {  	s23 =	sshll.u32 s22, $0x7;
	s25 =	sor.u32 s21, s22;
	s26 =	simm.s32 $0x0  }
0x34: {  	s28 =	simm.s32 $0x4420;
	s24 =	sadd.s32 $0x2400, s23;
	v2 =	vmov s25;
	s25 =	simm.s32 $0x20  }
.LBB2_6:
0x35: {  	s29 =	sadd.s32 $0xFFFFFFE0, s25;
	s30 =	sand.u32 $0x1C00, s26  }
0x36: {  	s29 =	sand.u32 $0x40, s29;
	s31 =	sadd.s32 s30, s24  }
0x37: {  	v3 =	vld [tilespmem:s28+$0xFFFFFFE0];
	s1 =	sadd.s32 s29, s31  }
0x38: {  	v4 =	vld [tilespmem:s1+$0x0];
	_ =	sdelay $0x2  }
0x39: {  	s1 =	sadd.s32 s30, s23;
	s30 =	sadd.s32 $0x3E0, s25  }
0x3a: {  	s29 =	sadd.s32 s29, s1;
	vm0 =	vne.s32 v3, v2;
	v3 =	vor.u32 s30, v1  }
0x3b: {  	v5 =	vld [tilespmem:s29+$0x0];
	v3 =	vsub.s32 v3, v4;
	_ =	sdelay $0x3  }
0x3c: {  	s30 =	sadd.s32 $0xFFFFFFF0, s25  }
0x3d: {  	s29 =	sand.u32 $0x50, s30;
	[tilespmem:v3+s16+$0x0] =	vst.idx.add.f32.msk vm0, v5  }
0x3e: {  	s30 =	sadd.s32 s29, s31;
	v3 =	vld [tilespmem:s28+$0xFFFFFFF0]  }
0x3f: {  	v61 =	vld [tilespmem:s30+$0x0];
	_ =	sdelay $0x2  }
0x40: {  	s30 =	sadd.s32 $0x3F0, s25  }
0x41: {  	s29 =	sadd.s32 s29, s1;
	vm13 =	vne.s32 v3, v2;
	v3 =	vor.u32 s30, v1  }
0x42: {  	v5 =	vld [tilespmem:s29+$0x0];
	v3 =	vsub.s32 v3, v61;
	_ =	sdelay $0x4  }
0x43: {  	s29 =	sand.u32 $0x60, s25;
	[tilespmem:v3+s16+$0x0] =	vst.idx.add.f32.msk vm13, v5  }
0x44: {  	s30 =	sadd.s32 s29, s31;
	v3 =	vld [tilespmem:s28+$0x0]  }
0x45: {  	v62 =	vld [tilespmem:s30+$0x0];
	_ =	sdelay $0x2  }
0x46: {  	s30 =	sadd.s32 $0x400, s25  }
0x47: {  	s29 =	sadd.s32 s29, s1;
	vm14 =	vne.s32 v3, v2;
	v3 =	vor.u32 s30, v1  }
0x48: {  	v5 =	vld [tilespmem:s29+$0x0];
	v3 =	vsub.s32 v3, v62;
	_ =	sdelay $0x3  }
0x49: {  	s30 =	sadd.s32 $0x10, s25  }
0x4a: {  	s29 =	sand.u32 $0x70, s30;
	[tilespmem:v3+s16+$0x0] =	vst.idx.add.f32.msk vm14, v5  }
0x4b: {  	s31 =	sadd.s32 s29, s31;
	v3 =	vld [tilespmem:s28+$0x10]  }
0x4c: {  	v63 =	vld [tilespmem:s31+$0x0];
	_ =	sdelay $0x2  }
0x4d: {  	s31 =	sadd.s32 $0x410, s25  }
0x4e: {  	s1 =	sadd.s32 s29, s1;
	vm15 =	vne.s32 v3, v2;
	v3 =	vor.u32 s31, v1  }
0x4f: {  	p1 =	sne.s32 s25, $0x3E0;
	v5 =	vld [tilespmem:s1+$0x0];
	v3 =	vsub.s32 v3, v63  }
.Ltmp3:
0x50: {  	_ = 	snop;
	(pc) =	sbr.rel @p1 .LBB2_6-.Ltmp3, $2  }
0x51: {  	_ =	sdelay $0x2  }
0x52: {  	s26 =	sadd.s32 $0x200, s26;
	s28 =	sadd.s32 $0x40, s28;
	s25 =	sadd.s32 $0x40, s25;
	[tilespmem:v3+s16+$0x0] =	vst.idx.add.f32.msk vm15, v5  }
0x53: {  	s22 =	sadd.s32 $0x1, s22  }
0x54: {  	p1 =	sne.s32 s22, $0x8  }
.Ltmp4:
0x55: {  	_ = 	snop;
	(pc) =	sbr.rel @p1 .LBB2_5-.Ltmp4, $1  }
0x56: {  	_ =	sdelay $0x3  }
0x57: {  	s20 =	sadd.s32 $0x1, s20  }
0x58: {  	p1 =	sne.s32 s20, $0x40  }
.Ltmp5:
0x59: {  	_ = 	snop;
	(pc) =	sbr.rel @p1 .LBB2_4-.Ltmp5, $1  }
0x5a: {  	_ =	sdelay $0x3  }
.Ltmp6:
0x5b: {  	(pc) =	sbr.rel @p0 .LBB2_12-.Ltmp6, $1  }
0x5c: {  	_ =	sdelay $0x3  }
0x5d: {  	s19 =	simm.s32 $0x0  }
0x5e: {  	[tilespmem:s19], [sflag:$0x1] =	stream.linear.gather [hbm4b:s10+s19], $0x80, $0x38;
	[tilespmem:$0x5000] =	vst v63  }
0x5f: {  	s1 =	sadd.s32 $0x80, s10  }
0x60: {  	[tilespmem:s18], [sflag:$0x1] =	stream.linear.gather [hbm4b:s1+s19], $0x80, $0x38;
	[tilespmem:$0x5000] =	vst v63  }
0x61: {  	s26 =	sadd.s32 $0x100, s10;
	s20 =	simm.s32 $0x800  }
0x62: {  	[tilespmem:s20], [sflag:$0x1] =	stream.linear.gather [hbm4b:s26+s19], $0x80, $0x38;
	[tilespmem:$0x5000] =	vst v63  }
0x63: {  	s28 =	sadd.s32 $0x180, s10;
	s29 =	simm.s32 $0xC00  }
0x64: {  	[tilespmem:s29], [sflag:$0x1] =	stream.linear.gather [hbm4b:s28+s19], $0x80, $0x38;
	[tilespmem:$0x5000] =	vst v63  }
0x65: {  	s30 =	sadd.s32 $0x200, s10;
	s31 =	simm.s32 $0x1000  }
0x66: {  	[tilespmem:s31], [sflag:$0x1] =	stream.linear.gather [hbm4b:s30+s19], $0x80, $0x38;
	[tilespmem:$0x5000] =	vst v63  }
0x67: {  	s21 =	sadd.s32 $0x280, s10;
	s22 =	simm.s32 $0x1400  }
0x68: {  	[tilespmem:s22], [sflag:$0x1] =	stream.linear.gather [hbm4b:s21+s19], $0x80, $0x38;
	[tilespmem:$0x5000] =	vst v63  }
0x69: {  	s23 =	sadd.s32 $0x300, s10;
	s24 =	simm.s32 $0x1800  }
0x6a: {  	[tilespmem:s24], [sflag:$0x1] =	stream.linear.gather [hbm4b:s23+s19], $0x80, $0x38;
	[tilespmem:$0x5000] =	vst v63  }
0x6b: {  	s25 =	sadd.s32 $0x380, s10;
	s26 =	simm.s32 $0x1C00  }
0x6c: {  	[tilespmem:s26], [sflag:$0x1] =	stream.linear.gather [hbm4b:s25+s19], $0x80, $0x38;
	[tilespmem:$0x5000] =	vst v63  }
0x6d: {  	s28 =	sadd.s32 $0x400, s10;
	s29 =	simm.s32 $0x2000  }
0x6e: {  	[tilespmem:s29], [sflag:$0x1] =	stream.linear.gather [hbm4b:s28+s19], $0x80, $0x38;
	[tilespmem:$0x5000] =	vst v63  }
0x6f: {  	_ =	swait.ge [sflag:s4], $0x480  }
0x70: {  	[sflag:s4] =	ssyncset.done $0x0  }
0x71: {  	[sflag:s4] =	ssyncadd.s32 $0xFFFFFB80  }
0x72: {  	[tilespmem:s15], [sflag:$0x1] =	stream.linear.gather [hbm4b:s11+s19], $0x80, $0x38;
	[tilespmem:$0x5000] =	vst v63  }
0x73: {  	s30 =	sadd.s32 $0x80, s11;
	s31 =	simm.s32 $0x2800  }
0x74: {  	[tilespmem:s31], [sflag:$0x1] =	stream.linear.gather [hbm4b:s30+s19], $0x80, $0x38;
	[tilespmem:$0x5000] =	vst v63  }
0x75: {  	s20 =	sadd.s32 $0x100, s11;
	s21 =	simm.s32 $0x2C00  }
0x76: {  	[tilespmem:s21], [sflag:$0x1] =	stream.linear.gather [hbm4b:s20+s19], $0x80, $0x38;
	[tilespmem:$0x5000] =	vst v63  }
0x77: {  	s22 =	sadd.s32 $0x180, s11;
	s23 =	simm.s32 $0x3000  }
0x78: {  	[tilespmem:s23], [sflag:$0x1] =	stream.linear.gather [hbm4b:s22+s19], $0x80, $0x38;
	[tilespmem:$0x5000] =	vst v63  }
0x79: {  	s24 =	sadd.s32 $0x200, s11;
	s25 =	simm.s32 $0x3400  }
0x7a: {  	[tilespmem:s25], [sflag:$0x1] =	stream.linear.gather [hbm4b:s24+s19], $0x80, $0x38;
	[tilespmem:$0x5000] =	vst v63  }
0x7b: {  	s26 =	sadd.s32 $0x280, s11;
	s28 =	simm.s32 $0x3800  }
0x7c: {  	[tilespmem:s28], [sflag:$0x1] =	stream.linear.gather [hbm4b:s26+s19], $0x80, $0x38;
	[tilespmem:$0x5000] =	vst v63  }
0x7d: {  	s29 =	sadd.s32 $0x300, s11;
	s30 =	simm.s32 $0x3C00  }
0x7e: {  	[tilespmem:s30], [sflag:$0x1] =	stream.linear.gather [hbm4b:s29+s19], $0x80, $0x38;
	[tilespmem:$0x5000] =	vst v63  }
0x7f: {  	s31 =	sadd.s32 $0x380, s11  }
0x80: {  	[tilespmem:s0], [sflag:$0x1] =	stream.linear.gather [hbm4b:s31+s19], $0x80, $0x38;
	[tilespmem:$0x5000] =	vst v63  }
0x81: {  	_ =	swait.ge [sflag:s4], $0x400  }
0x82: {  	[sflag:s4] =	ssyncset.done $0x0  }
0x83: {  	s20 =	simm.s32 $0x20;
	s21 =	simm.s32 $0x4420;
	[sflag:s4] =	ssyncadd.s32 $0xFFFFFC00  }
.LBB2_11:
0x84: {  	s1 =	sadd.s32 $0xFFFFFFE0, s20  }
0x85: {  	s22 =	sand.u32 $0x1C00, s19;
	s1 =	sand.u32 $0x40, s1  }
0x86: {  	v2 =	vld [tilespmem:s21+$0xFFFFFFE0];
	s1 =	sor.u32 s1, s22  }
0x87: {  	v3 =	vld [tilespmem:s1+$0x2400];
	_ =	sdelay $0x2  }
0x88: {  	s23 =	sadd.s32 $0x3E0, s20  }
0x89: {  	vm0 =	vne.s32 v2, $0x400;
	v2 =	vor.u32 s23, v1  }
0x8a: {  	v4 =	vld [tilespmem:s1+$0x0];
	v2 =	vsub.s32 v2, v3;
	_ =	sdelay $0x3  }
0x8b: {  	s25 =	sadd.s32 $0xFFFFFFF0, s20  }
0x8c: {  	s1 =	sand.u32 $0x50, s25;
	[tilespmem:v2+s16+$0x0] =	vst.idx.add.f32.msk vm0, v4  }
0x8d: {  	s1 =	sor.u32 s22, s1;
	v2 =	vld [tilespmem:s21+$0xFFFFFFF0]  }
0x8e: {  	v3 =	vld [tilespmem:s1+$0x2400];
	_ =	sdelay $0x2  }
0x8f: {  	s26 =	sadd.s32 $0x3F0, s20  }
0x90: {  	vm13 =	vne.s32 v2, $0x400;
	v2 =	vor.u32 s26, v1  }
0x91: {  	v4 =	vld [tilespmem:s1+$0x0];
	v2 =	vsub.s32 v2, v3;
	_ =	sdelay $0x4  }
0x92: {  	s28 =	sand.u32 $0x60, s20;
	[tilespmem:v2+s16+$0x0] =	vst.idx.add.f32.msk vm13, v4  }
0x93: {  	s1 =	sor.u32 s22, s28;
	v2 =	vld [tilespmem:s21+$0x0]  }
0x94: {  	v3 =	vld [tilespmem:s1+$0x2400];
	_ =	sdelay $0x2  }
0x95: {  	s29 =	sadd.s32 $0x400, s20  }
0x96: {  	v62 =	vor.u32 s29, v1;
	vm14 =	vne.s32 v2, $0x400  }
0x97: {  	v2 =	vld [tilespmem:s1+$0x0];
	v3 =	vsub.s32 v62, v3;
	_ =	sdelay $0x3  }
0x98: {  	s30 =	sadd.s32 $0x10, s20  }
0x99: {  	s1 =	sand.u32 $0x70, s30;
	[tilespmem:v3+s16+$0x0] =	vst.idx.add.f32.msk vm14, v2  }
0x9a: {  	s1 =	sor.u32 s22, s1;
	v2 =	vld [tilespmem:s21+$0x10]  }
0x9b: {  	v3 =	vld [tilespmem:s1+$0x2400];
	_ =	sdelay $0x2  }
0x9c: {  	s31 =	sadd.s32 $0x410, s20  }
0x9d: {  	vm15 =	vne.s32 v2, $0x400;
	v2 =	vor.u32 s31, v1  }
0x9e: {  	p1 =	sne.s32 s20, $0x3E0;
	v63 =	vld [tilespmem:s1+$0x0];
	v2 =	vsub.s32 v2, v3  }
.Ltmp7:
0x9f: {  	_ = 	snop;
	(pc) =	sbr.rel @p1 .LBB2_11-.Ltmp7, $2  }
0xa0: {  	_ =	sdelay $0x2  }
0xa1: {  	s19 =	sadd.s32 $0x200, s19;
	s20 =	sadd.s32 $0x40, s20;
	s21 =	sadd.s32 $0x40, s21;
	[tilespmem:v2+s16+$0x0] =	vst.idx.add.f32.msk vm15, v63  }
.Ltmp8:
0xa2: {  	_ = 	snop;
	(pc) =	sbr.rel .LBB2_12-.Ltmp8, $1  }
0xa3: {  	_ =	sdelay $0x3  }
.LBB2_13:
0xa4: {  	_ =	sfence.sel $0x180000  }
0xa5: {  	[bflag:$0x0] =	sbarrier.arrive $0xFFFF  }
0xa6: {  	_ =	strace $0x90000047  }
0xa7: {  	s0 =	stileid.u32;
	[bflag:$0x2] =	sbarrier.arrive $0xFFFF  }
0xa8: {  	p0 =	sne.s32 s0, $0x0;
	s0 =	rddreg [dreg:$0x1]  }
0xa9: {  	s0 =	sadd.s32 @!p0 $0x100000, s0  }
0xaa: {  	[sflag:s0] =	ssyncadd.tile.s32 @!p0 $0x1;
	_ =	shalt  }
.Lfunc_end2:
_tile_overlayer_lowered:
.L_overlay_start_2:
0xab: {  	(tag) =	ssettag $0x2  }
0xac: {  	s0 =	rddreg [dreg:$0x0];
	s2 =	stileid.u32  }
0xad: {  	s1 =	rddreg [dreg:$0x1];
	p0 =	sne.s32 s2, $0x0  }
0xae: {  	s3 =	rddreg [dreg:$0x2];
	[bflag:$0x3] =	sbarrier.arrive $0xFFFF;
	s2 =	simm.s32 @!p0 $0x1C01  }
0xaf: {  	[timem:s3], [sflag:s2] =	dma.local @!p0 [hbm:s0], s1  }
0xb0: {  	s0 =	simm.s32 @!p0 $0x1  }
0xb1: {  	_ =	swait.ge @!p0 [sflag:s0], s1  }
0xb2: {  	s1 =	ssub.s32 @!p0 $0x0, s1;
	[sflag:s0] =	ssyncset.done @!p0 $0x0  }
0xb3: {  	[sflag:s0] =	ssyncadd.s32 @!p0 s1  }
0xb4: {  	[bflag:$0x3] =	sbarrier.arrive $0xFFFF  }
0xb5: {  	_ =	shalt  }

</sc_bundles>
